<compile_context>
chip_gen: v7x
topology: tpu7x:2x2x1
jax: 0.10.2.dev20260603
libtpu: 0.0.44.dev20260713+nightly
codegen_flags: <defaults>
</compile_context>

<pallas_src>
import functools

import jax
import jax.numpy as jnp
from jax import lax
from jax.experimental import pallas as pl
from jax.experimental.pallas import tpu as pltpu
from jax.experimental.pallas import tpu_sc as plsc

VOCAB = 1000
VPAD = 1024
N_EMBD = 32
T = 8
ROWS = 4096 * 8
NW = 32
ROWS_PER_W = ROWS // NW
CHUNK = 128
NCHUNK = ROWS_PER_W // CHUNK
BLK = 4096
NCHUNKS_TC = 4
CROWS = ROWS // NCHUNKS_TC
GRID = CROWS // BLK


def _sc_gather_kernel(table_hbm, idx_hbm, out_hbm, idx_v, rows_v, sem):
    wid = lax.axis_index("s") * 2 + lax.axis_index("c")
    base = wid * NCHUNK
    pltpu.sync_copy(idx_hbm.at[pl.ds(base, NCHUNK)], idx_v)
    for j in range(NCHUNK):
        pltpu.async_copy(table_hbm.at[idx_v.at[j]], rows_v.at[j], sem).wait()
        pltpu.sync_copy(
            rows_v.at[j],
            out_hbm.at[pl.ds(wid * ROWS_PER_W + j * CHUNK, CHUNK)],
        )


@jax.jit
def _sc_gather(tok_table, idx2):
    mesh = plsc.VectorSubcoreMesh(core_axis_name="c", subcore_axis_name="s")
    return pl.kernel(
        _sc_gather_kernel,
        mesh=mesh,
        out_type=jax.ShapeDtypeStruct((ROWS, N_EMBD), jnp.float32),
        scratch_types=[
            pltpu.VMEM((NCHUNK, CHUNK), jnp.int32),
            pltpu.VMEM((NCHUNK, CHUNK, N_EMBD), jnp.float32),
            pltpu.SemaphoreType.DMA,
        ],
        compiler_params=pltpu.CompilerParams(use_tc_tiling_on_sc=False),
    )(tok_table, idx2)


def _tc_head_kernel(x_ref, pos_ref, w_ref, b_ref, t_ref, logits_ref, loss_ref):
    i = pl.program_id(0)
    x = x_ref[...]
    xp = x.reshape(BLK // T, T, N_EMBD) + pos_ref[...][None, :, :]
    xp = xp.reshape(BLK, N_EMBD)
    logits = (
        jnp.dot(xp, w_ref[...], preferred_element_type=jnp.float32,
                precision=lax.Precision.DEFAULT)
        + b_ref[...]
    )
    logits_ref[...] = logits

    viota = lax.broadcasted_iota(jnp.int32, (BLK, VPAD), 1)
    valid = viota < VOCAB
    neg = jnp.where(valid, logits, -jnp.inf)
    rowmax = jnp.max(neg, axis=1, keepdims=True)
    se = jnp.sum(jnp.where(valid, jnp.exp(logits - rowmax), 0.0), axis=1)
    tmask = viota == t_ref[...]
    tlogit = jnp.sum(jnp.where(tmask, logits, 0.0), axis=1)
    bs = jnp.sum(jnp.log(se) + rowmax[:, 0] - tlogit).reshape(1, 1)

    @pl.when(i == 0)
    def _init():
        loss_ref[...] = jnp.zeros((1, 1), jnp.float32)

    loss_ref[...] += bs


@jax.jit
def _tc_head(x, pos_table, Wp, bp, t2):
    return pl.pallas_call(
        _tc_head_kernel,
        grid=(GRID,),
        in_specs=[
            pl.BlockSpec((BLK, N_EMBD), lambda i: (i, 0)),
            pl.BlockSpec((T, N_EMBD), lambda i: (0, 0)),
            pl.BlockSpec((N_EMBD, VPAD), lambda i: (0, 0)),
            pl.BlockSpec((1, VPAD), lambda i: (0, 0)),
            pl.BlockSpec((BLK, 1), lambda i: (i, 0)),
        ],
        out_specs=[
            pl.BlockSpec((BLK, VPAD), lambda i: (i, 0)),
            pl.BlockSpec((1, 1), lambda i: (0, 0)),
        ],
        out_shape=[
            jax.ShapeDtypeStruct((CROWS, VPAD), jnp.float32),
            jax.ShapeDtypeStruct((1, 1), jnp.float32),
        ],
    )(x, pos_table, Wp, bp, t2)


def kernel(idx, targets, tok_table, pos_table, W, b):
    idx2 = idx.reshape(NW * NCHUNK, CHUNK).astype(jnp.int32)
    x = _sc_gather(tok_table, idx2)
    t2 = targets.reshape(ROWS, 1).astype(jnp.int32)
    Wp = jnp.pad(W, ((0, 0), (0, VPAD - VOCAB)))
    bp = jnp.pad(b, (0, VPAD - VOCAB)).reshape(1, VPAD)
    pieces, part = [], None
    for c in range(NCHUNKS_TC):
        sl = slice(c * CROWS, (c + 1) * CROWS)
        padded, s = _tc_head(x[sl], pos_table, Wp, bp, t2[sl])
        pieces.append(padded[:, :VOCAB])
        part = s if part is None else part + s
    logits2 = jnp.concatenate(pieces, axis=0)
    return (logits2, part[0, 0] / ROWS)

# --- scband reference (transcript-rebuilt; emitter-appended) ---
"""Pipeline reference for scband-bigram-language-model-58892591563062 (READ-ONLY COPY).

The authoritative reference and input builder live on the scoring server;
editing this copy changes nothing except your own understanding.
"""

import jax, jax.numpy as jnp
import numpy as np

VOCAB = 1000
N_EMBD = 32
BLOCK = 8
B = 4096
T = 8

def setup_inputs(seed: int = 0) -> dict:
    key = jax.random.key(seed)
    k1, k2, k3, k4, k5, k6 = jax.random.split(key, 6)
    idx = jax.random.randint(k1, (B, T), 0, VOCAB, dtype=jnp.int64 if jax.config.jax_enable_x64 else jnp.int32)
    targets = jax.random.randint(k2, (B, T), 0, VOCAB, dtype=jnp.int64 if jax.config.jax_enable_x64 else jnp.int32)
    tok_table = jax.random.normal(k3, (VOCAB, N_EMBD), dtype=jnp.float32)
    pos_table = jax.random.normal(k4, (BLOCK, N_EMBD), dtype=jnp.float32)
    W = jax.random.normal(k5, (N_EMBD, VOCAB), dtype=jnp.float32) * (1.0 / np.sqrt(N_EMBD))
    b = jax.random.normal(k6, (VOCAB,), dtype=jnp.float32) * 0.01
    return {"idx": idx, "targets": targets, "tok_table": tok_table, "pos_table": pos_table, "W": W, "b": b}

def reference(idx, targets, tok_table, pos_table, W, b):
    Bd, Td = idx.shape
    # token embedding lookup (gather)
    tok_emb = jnp.take(tok_table, idx, axis=0)                 # [B, T, C]
    # position embedding lookup
    pos_emb = jnp.take(pos_table, jnp.arange(Td), axis=0)[None, :, :]  # [1, T, C]
    x = tok_emb + pos_emb                                      # [B, T, C]
    logits = x @ W + b                                         # [B, T, V]
    C = logits.shape[-1]
    logits2 = logits.reshape(Bd * Td, C)                       # [B*T, V]
    t = targets.reshape(Bd * Td)
    # cross entropy (mean reduction), matching F.cross_entropy
    logp = jax.nn.log_softmax(logits2, axis=-1)
    nll = -jnp.take_along_axis(logp, t[:, None], axis=1)[:, 0]
    loss = jnp.mean(nll)
    return (logits2, loss)

if __name__ == "__main__":
    import jax
    _d = setup_inputs()
    print(jax.jit(kernel)(*tuple(_d.values())))

</pallas_src>

<mosaic_0001>
#map = affine_map<(d0, d1) -> (0, 0)>
module attributes {stable_mosaic.version = 14 : i64} {
  func.func @_sc_gather_kernel(%arg0: i32, %arg1: i32, %arg2: memref<1000x32xf32, #tpu.memory_space<hbm>>, %arg3: memref<256x128xi32, #tpu.memory_space<hbm>>, %arg4: memref<32768x32xf32, #tpu.memory_space<hbm>>, %arg5: memref<8x128xi32, #tpu.memory_space<vmem>>, %arg6: memref<8x128x32xf32, #tpu.memory_space<vmem>>, %arg7: memref<!tpu.dma_semaphore, #tpu.memory_space<semaphore_mem>>) attributes {dimension_semantics = [#tpu.dimension_semantics<core_parallel>, #tpu.dimension_semantics<subcore_parallel>], iteration_bounds = array<i64: 2, 16>, scalar_prefetch = 0 : i64, scratch_operands = 3 : i64, tpu.core_type = #tpu.core_type<sc_vector_subcore>, window_params = [{transform_indices = #map}, {transform_indices = #map}, {transform_indices = #map}]} {
    %mul3A = arith.constant 2 : i32
    %mul3A_0 = arith.muli %arg1, %mul3A : i32
    %add3A = arith.addi %mul3A_0, %arg0 : i32
    %mul3A_1 = arith.constant 8 : i32
    %mul3A_2 = arith.muli %add3A, %mul3A_1 : i32
    "tpu.region"() ({
      %run_scoped3A_232 = tpu.sem_alloc : memref<!tpu.dma_semaphore, #tpu.memory_space<semaphore_mem>>
      %dma_start3A_233 = arith.constant 0 : i32
      %dma_start3A_234 = tpu.memref_slice %arg3[%mul3A_2, %dma_start3A_233] : memref<256x128xi32, #tpu.memory_space<hbm>> -> memref<8x128xi32, #tpu.memory_space<hbm>>
      %dma_start3A_235 = arith.constant 0 : i32
      %dma_start3A_236 = tpu.memref_slice %arg3[%mul3A_2, %dma_start3A_235] : memref<256x128xi32, #tpu.memory_space<hbm>> -> memref<8x128xi32, #tpu.memory_space<hbm>>
      tpu.enqueue_dma source(%dma_start3A_236 : memref<8x128xi32, #tpu.memory_space<hbm>>) target(%arg5 : memref<8x128xi32, #tpu.memory_space<vmem>>) target_semaphore(%run_scoped3A_232 : memref<!tpu.dma_semaphore, #tpu.memory_space<semaphore_mem>>)
      %dma_wait3A_237 = arith.constant 0 : i32
      %dma_wait3A_238 = tpu.memref_slice %arg3[%mul3A_2, %dma_wait3A_237] : memref<256x128xi32, #tpu.memory_space<hbm>> -> memref<8x128xi32, #tpu.memory_space<hbm>>
      %dma_wait3A_239 = arith.constant 0 : i32
      %dma_wait3A_240 = tpu.memref_slice %arg3[%mul3A_2, %dma_wait3A_239] : memref<256x128xi32, #tpu.memory_space<hbm>> -> memref<8x128xi32, #tpu.memory_space<hbm>>
      tpu.wait_dma2 semaphore(%run_scoped3A_232 : memref<!tpu.dma_semaphore, #tpu.memory_space<semaphore_mem>>) src(%dma_wait3A_240 : memref<8x128xi32, #tpu.memory_space<hbm>>) dst(%arg5 : memref<8x128xi32, #tpu.memory_space<vmem>>)
      tpu.yield
    }) : () -> ()
    %dma_start3A = arith.constant 0 : i32
    %dma_start3A_3 = arith.constant 0 : i32
    %dma_start3A_4 = arith.constant 0 : i32
    %dma_start3A_5 = arith.constant 0 : i32
    %dma_start3A_6 = tpu.memref_slice %arg6[%dma_start3A_3, %dma_start3A_4, %dma_start3A_5] : memref<8x128x32xf32, #tpu.memory_space<vmem>> -> memref<1x128x32xf32, #tpu.memory_space<vmem>>
    %dma_start3A_7 = tpu.memref_squeeze %dma_start3A_6 : memref<1x128x32xf32, #tpu.memory_space<vmem>> -> memref<128x32xf32, #tpu.memory_space<vmem>>
    %dma_start3A_8 = arith.constant 0 : i32
    %dma_start3A_9 = tpu.memref_slice %arg5[%dma_start3A, %dma_start3A_8] : memref<8x128xi32, #tpu.memory_space<vmem>> -> memref<1x128xi32, #tpu.memory_space<vmem>>
    %dma_start3A_10 = tpu.memref_squeeze %dma_start3A_9 : memref<1x128xi32, #tpu.memory_space<vmem>> -> memref<128xi32, #tpu.memory_space<vmem>>
    %dma_start3A_11 = arith.constant 0 : i32
    %dma_start3A_12 = arith.constant 0 : i32
    %dma_start3A_13 = tpu.memref_slice %arg2[%dma_start3A_11, %dma_start3A_12] : memref<1000x32xf32, #tpu.memory_space<hbm>> -> memref<1000x32xf32, #tpu.memory_space<hbm>>
    tpu.enqueue_indirect_dma source(%dma_start3A_13 : memref<1000x32xf32, #tpu.memory_space<hbm>>) target(%dma_start3A_7 : memref<128x32xf32, #tpu.memory_space<vmem>>) offsets(%dma_start3A_10 : memref<128xi32, #tpu.memory_space<vmem>>) semaphore(%arg7 : memref<!tpu.dma_semaphore, #tpu.memory_space<semaphore_mem>>)
    %dma_wait3A = arith.constant 0 : i32
    %dma_wait3A_14 = arith.constant 0 : i32
    %dma_wait3A_15 = arith.constant 0 : i32
    %dma_wait3A_16 = arith.constant 0 : i32
    %dma_wait3A_17 = tpu.memref_slice %arg6[%dma_wait3A_14, %dma_wait3A_15, %dma_wait3A_16] : memref<8x128x32xf32, #tpu.memory_space<vmem>> -> memref<1x128x32xf32, #tpu.memory_space<vmem>>
    %dma_wait3A_18 = tpu.memref_squeeze %dma_wait3A_17 : memref<1x128x32xf32, #tpu.memory_space<vmem>> -> memref<128x32xf32, #tpu.memory_space<vmem>>
    %dma_wait3A_19 = arith.constant 0 : i32
    %dma_wait3A_20 = tpu.memref_slice %arg5[%dma_wait3A, %dma_wait3A_19] : memref<8x128xi32, #tpu.memory_space<vmem>> -> memref<1x128xi32, #tpu.memory_space<vmem>>
    %dma_wait3A_21 = tpu.memref_squeeze %dma_wait3A_20 : memref<1x128xi32, #tpu.memory_space<vmem>> -> memref<128xi32, #tpu.memory_space<vmem>>
    %dma_wait3A_22 = arith.constant 0 : i32
    %dma_wait3A_23 = arith.constant 0 : i32
    %dma_wait3A_24 = tpu.memref_slice %arg2[%dma_wait3A_22, %dma_wait3A_23] : memref<1000x32xf32, #tpu.memory_space<hbm>> -> memref<1000x32xf32, #tpu.memory_space<hbm>>
    tpu.wait_indirect_dma semaphore(%arg7 : memref<!tpu.dma_semaphore, #tpu.memory_space<semaphore_mem>>) src(%dma_wait3A_24 : memref<1000x32xf32, #tpu.memory_space<hbm>>) dst(%dma_wait3A_18 : memref<128x32xf32, #tpu.memory_space<vmem>>)
    %mul3A_25 = arith.constant 1024 : i32
    %mul3A_26 = arith.muli %add3A, %mul3A_25 : i32
    %add3A_27 = arith.constant 0 : i32
    %add3A_28 = arith.addi %mul3A_26, %add3A_27 : i32
    %run_scoped3A = arith.constant 0 : i32
    "tpu.region"() ({
      %run_scoped3A_232 = tpu.sem_alloc : memref<!tpu.dma_semaphore, #tpu.memory_space<semaphore_mem>>
      %dma_start3A_233 = arith.constant 0 : i32
      %dma_start3A_234 = arith.constant 0 : i32
      %dma_start3A_235 = tpu.memref_slice %arg6[%run_scoped3A, %dma_start3A_233, %dma_start3A_234] : memref<8x128x32xf32, #tpu.memory_space<vmem>> -> memref<1x128x32xf32, #tpu.memory_space<vmem>>
      %dma_start3A_236 = tpu.memref_squeeze %dma_start3A_235 : memref<1x128x32xf32, #tpu.memory_space<vmem>> -> memref<128x32xf32, #tpu.memory_space<vmem>>
      %dma_start3A_237 = arith.constant 0 : i32
      %dma_start3A_238 = tpu.memref_slice %arg4[%add3A_28, %dma_start3A_237] : memref<32768x32xf32, #tpu.memory_space<hbm>> -> memref<128x32xf32, #tpu.memory_space<hbm>>
      %dma_start3A_239 = arith.constant 0 : i32
      %dma_start3A_240 = tpu.memref_slice %arg4[%add3A_28, %dma_start3A_239] : memref<32768x32xf32, #tpu.memory_space<hbm>> -> memref<128x32xf32, #tpu.memory_space<hbm>>
      %dma_start3A_241 = arith.constant 0 : i32
      %dma_start3A_242 = arith.constant 0 : i32
      %dma_start3A_243 = tpu.memref_slice %arg6[%run_scoped3A, %dma_start3A_241, %dma_start3A_242] : memref<8x128x32xf32, #tpu.memory_space<vmem>> -> memref<1x128x32xf32, #tpu.memory_space<vmem>>
      %dma_start3A_244 = tpu.memref_squeeze %dma_start3A_243 : memref<1x128x32xf32, #tpu.memory_space<vmem>> -> memref<128x32xf32, #tpu.memory_space<vmem>>
      tpu.enqueue_dma source(%dma_start3A_244 : memref<128x32xf32, #tpu.memory_space<vmem>>) target(%dma_start3A_240 : memref<128x32xf32, #tpu.memory_space<hbm>>) target_semaphore(%run_scoped3A_232 : memref<!tpu.dma_semaphore, #tpu.memory_space<semaphore_mem>>)
      %dma_wait3A_245 = arith.constant 0 : i32
      %dma_wait3A_246 = arith.constant 0 : i32
      %dma_wait3A_247 = tpu.memref_slice %arg6[%run_scoped3A, %dma_wait3A_245, %dma_wait3A_246] : memref<8x128x32xf32, #tpu.memory_space<vmem>> -> memref<1x128x32xf32, #tpu.memory_space<vmem>>
      %dma_wait3A_248 = tpu.memref_squeeze %dma_wait3A_247 : memref<1x128x32xf32, #tpu.memory_space<vmem>> -> memref<128x32xf32, #tpu.memory_space<vmem>>
      %dma_wait3A_249 = arith.constant 0 : i32
      %dma_wait3A_250 = tpu.memref_slice %arg4[%add3A_28, %dma_wait3A_249] : memref<32768x32xf32, #tpu.memory_space<hbm>> -> memref<128x32xf32, #tpu.memory_space<hbm>>
      %dma_wait3A_251 = arith.constant 0 : i32
      %dma_wait3A_252 = tpu.memref_slice %arg4[%add3A_28, %dma_wait3A_251] : memref<32768x32xf32, #tpu.memory_space<hbm>> -> memref<128x32xf32, #tpu.memory_space<hbm>>
      %dma_wait3A_253 = arith.constant 0 : i32
      %dma_wait3A_254 = arith.constant 0 : i32
      %dma_wait3A_255 = tpu.memref_slice %arg6[%run_scoped3A, %dma_wait3A_253, %dma_wait3A_254] : memref<8x128x32xf32, #tpu.memory_space<vmem>> -> memref<1x128x32xf32, #tpu.memory_space<vmem>>
      %dma_wait3A_256 = tpu.memref_squeeze %dma_wait3A_255 : memref<1x128x32xf32, #tpu.memory_space<vmem>> -> memref<128x32xf32, #tpu.memory_space<vmem>>
      tpu.wait_dma2 semaphore(%run_scoped3A_232 : memref<!tpu.dma_semaphore, #tpu.memory_space<semaphore_mem>>) src(%dma_wait3A_256 : memref<128x32xf32, #tpu.memory_space<vmem>>) dst(%dma_wait3A_252 : memref<128x32xf32, #tpu.memory_space<hbm>>)
      tpu.yield
    }) : () -> ()
    %dma_start3A_29 = arith.constant 1 : i32
    %dma_start3A_30 = arith.constant 1 : i32
    %dma_start3A_31 = arith.constant 0 : i32
    %dma_start3A_32 = arith.constant 0 : i32
    %dma_start3A_33 = tpu.memref_slice %arg6[%dma_start3A_30, %dma_start3A_31, %dma_start3A_32] : memref<8x128x32xf32, #tpu.memory_space<vmem>> -> memref<1x128x32xf32, #tpu.memory_space<vmem>>
    %dma_start3A_34 = tpu.memref_squeeze %dma_start3A_33 : memref<1x128x32xf32, #tpu.memory_space<vmem>> -> memref<128x32xf32, #tpu.memory_space<vmem>>
    %dma_start3A_35 = arith.constant 0 : i32
    %dma_start3A_36 = tpu.memref_slice %arg5[%dma_start3A_29, %dma_start3A_35] : memref<8x128xi32, #tpu.memory_space<vmem>> -> memref<1x128xi32, #tpu.memory_space<vmem>>
    %dma_start3A_37 = tpu.memref_squeeze %dma_start3A_36 : memref<1x128xi32, #tpu.memory_space<vmem>> -> memref<128xi32, #tpu.memory_space<vmem>>
    %dma_start3A_38 = arith.constant 0 : i32
    %dma_start3A_39 = arith.constant 0 : i32
    %dma_start3A_40 = tpu.memref_slice %arg2[%dma_start3A_38, %dma_start3A_39] : memref<1000x32xf32, #tpu.memory_space<hbm>> -> memref<1000x32xf32, #tpu.memory_space<hbm>>
    tpu.enqueue_indirect_dma source(%dma_start3A_40 : memref<1000x32xf32, #tpu.memory_space<hbm>>) target(%dma_start3A_34 : memref<128x32xf32, #tpu.memory_space<vmem>>) offsets(%dma_start3A_37 : memref<128xi32, #tpu.memory_space<vmem>>) semaphore(%arg7 : memref<!tpu.dma_semaphore, #tpu.memory_space<semaphore_mem>>)
    %dma_wait3A_41 = arith.constant 1 : i32
    %dma_wait3A_42 = arith.constant 1 : i32
    %dma_wait3A_43 = arith.constant 0 : i32
    %dma_wait3A_44 = arith.constant 0 : i32
    %dma_wait3A_45 = tpu.memref_slice %arg6[%dma_wait3A_42, %dma_wait3A_43, %dma_wait3A_44] : memref<8x128x32xf32, #tpu.memory_space<vmem>> -> memref<1x128x32xf32, #tpu.memory_space<vmem>>
    %dma_wait3A_46 = tpu.memref_squeeze %dma_wait3A_45 : memref<1x128x32xf32, #tpu.memory_space<vmem>> -> memref<128x32xf32, #tpu.memory_space<vmem>>
    %dma_wait3A_47 = arith.constant 0 : i32
    %dma_wait3A_48 = tpu.memref_slice %arg5[%dma_wait3A_41, %dma_wait3A_47] : memref<8x128xi32, #tpu.memory_space<vmem>> -> memref<1x128xi32, #tpu.memory_space<vmem>>
    %dma_wait3A_49 = tpu.memref_squeeze %dma_wait3A_48 : memref<1x128xi32, #tpu.memory_space<vmem>> -> memref<128xi32, #tpu.memory_space<vmem>>
    %dma_wait3A_50 = arith.constant 0 : i32
    %dma_wait3A_51 = arith.constant 0 : i32
    %dma_wait3A_52 = tpu.memref_slice %arg2[%dma_wait3A_50, %dma_wait3A_51] : memref<1000x32xf32, #tpu.memory_space<hbm>> -> memref<1000x32xf32, #tpu.memory_space<hbm>>
    tpu.wait_indirect_dma semaphore(%arg7 : memref<!tpu.dma_semaphore, #tpu.memory_space<semaphore_mem>>) src(%dma_wait3A_52 : memref<1000x32xf32, #tpu.memory_space<hbm>>) dst(%dma_wait3A_46 : memref<128x32xf32, #tpu.memory_space<vmem>>)
    %mul3A_53 = arith.constant 1024 : i32
    %mul3A_54 = arith.muli %add3A, %mul3A_53 : i32
    %add3A_55 = arith.constant 128 : i32
    %add3A_56 = arith.addi %mul3A_54, %add3A_55 : i32
    %run_scoped3A_57 = arith.constant 1 : i32
    "tpu.region"() ({
      %run_scoped3A_232 = tpu.sem_alloc : memref<!tpu.dma_semaphore, #tpu.memory_space<semaphore_mem>>
      %dma_start3A_233 = arith.constant 0 : i32
      %dma_start3A_234 = arith.constant 0 : i32
      %dma_start3A_235 = tpu.memref_slice %arg6[%run_scoped3A_57, %dma_start3A_233, %dma_start3A_234] : memref<8x128x32xf32, #tpu.memory_space<vmem>> -> memref<1x128x32xf32, #tpu.memory_space<vmem>>
      %dma_start3A_236 = tpu.memref_squeeze %dma_start3A_235 : memref<1x128x32xf32, #tpu.memory_space<vmem>> -> memref<128x32xf32, #tpu.memory_space<vmem>>
      %dma_start3A_237 = arith.constant 0 : i32
      %dma_start3A_238 = tpu.memref_slice %arg4[%add3A_56, %dma_start3A_237] : memref<32768x32xf32, #tpu.memory_space<hbm>> -> memref<128x32xf32, #tpu.memory_space<hbm>>
      %dma_start3A_239 = arith.constant 0 : i32
      %dma_start3A_240 = tpu.memref_slice %arg4[%add3A_56, %dma_start3A_239] : memref<32768x32xf32, #tpu.memory_space<hbm>> -> memref<128x32xf32, #tpu.memory_space<hbm>>
      %dma_start3A_241 = arith.constant 0 : i32
      %dma_start3A_242 = arith.constant 0 : i32
      %dma_start3A_243 = tpu.memref_slice %arg6[%run_scoped3A_57, %dma_start3A_241, %dma_start3A_242] : memref<8x128x32xf32, #tpu.memory_space<vmem>> -> memref<1x128x32xf32, #tpu.memory_space<vmem>>
      %dma_start3A_244 = tpu.memref_squeeze %dma_start3A_243 : memref<1x128x32xf32, #tpu.memory_space<vmem>> -> memref<128x32xf32, #tpu.memory_space<vmem>>
      tpu.enqueue_dma source(%dma_start3A_244 : memref<128x32xf32, #tpu.memory_space<vmem>>) target(%dma_start3A_240 : memref<128x32xf32, #tpu.memory_space<hbm>>) target_semaphore(%run_scoped3A_232 : memref<!tpu.dma_semaphore, #tpu.memory_space<semaphore_mem>>)
      %dma_wait3A_245 = arith.constant 0 : i32
      %dma_wait3A_246 = arith.constant 0 : i32
      %dma_wait3A_247 = tpu.memref_slice %arg6[%run_scoped3A_57, %dma_wait3A_245, %dma_wait3A_246] : memref<8x128x32xf32, #tpu.memory_space<vmem>> -> memref<1x128x32xf32, #tpu.memory_space<vmem>>
      %dma_wait3A_248 = tpu.memref_squeeze %dma_wait3A_247 : memref<1x128x32xf32, #tpu.memory_space<vmem>> -> memref<128x32xf32, #tpu.memory_space<vmem>>
      %dma_wait3A_249 = arith.constant 0 : i32
      %dma_wait3A_250 = tpu.memref_slice %arg4[%add3A_56, %dma_wait3A_249] : memref<32768x32xf32, #tpu.memory_space<hbm>> -> memref<128x32xf32, #tpu.memory_space<hbm>>
      %dma_wait3A_251 = arith.constant 0 : i32
      %dma_wait3A_252 = tpu.memref_slice %arg4[%add3A_56, %dma_wait3A_251] : memref<32768x32xf32, #tpu.memory_space<hbm>> -> memref<128x32xf32, #tpu.memory_space<hbm>>
      %dma_wait3A_253 = arith.constant 0 : i32
      %dma_wait3A_254 = arith.constant 0 : i32
      %dma_wait3A_255 = tpu.memref_slice %arg6[%run_scoped3A_57, %dma_wait3A_253, %dma_wait3A_254] : memref<8x128x32xf32, #tpu.memory_space<vmem>> -> memref<1x128x32xf32, #tpu.memory_space<vmem>>
      %dma_wait3A_256 = tpu.memref_squeeze %dma_wait3A_255 : memref<1x128x32xf32, #tpu.memory_space<vmem>> -> memref<128x32xf32, #tpu.memory_space<vmem>>
      tpu.wait_dma2 semaphore(%run_scoped3A_232 : memref<!tpu.dma_semaphore, #tpu.memory_space<semaphore_mem>>) src(%dma_wait3A_256 : memref<128x32xf32, #tpu.memory_space<vmem>>) dst(%dma_wait3A_252 : memref<128x32xf32, #tpu.memory_space<hbm>>)
      tpu.yield
    }) : () -> ()
    %dma_start3A_58 = arith.constant 2 : i32
    %dma_start3A_59 = arith.constant 2 : i32
    %dma_start3A_60 = arith.constant 0 : i32
    %dma_start3A_61 = arith.constant 0 : i32
    %dma_start3A_62 = tpu.memref_slice %arg6[%dma_start3A_59, %dma_start3A_60, %dma_start3A_61] : memref<8x128x32xf32, #tpu.memory_space<vmem>> -> memref<1x128x32xf32, #tpu.memory_space<vmem>>
    %dma_start3A_63 = tpu.memref_squeeze %dma_start3A_62 : memref<1x128x32xf32, #tpu.memory_space<vmem>> -> memref<128x32xf32, #tpu.memory_space<vmem>>
    %dma_start3A_64 = arith.constant 0 : i32
    %dma_start3A_65 = tpu.memref_slice %arg5[%dma_start3A_58, %dma_start3A_64] : memref<8x128xi32, #tpu.memory_space<vmem>> -> memref<1x128xi32, #tpu.memory_space<vmem>>
    %dma_start3A_66 = tpu.memref_squeeze %dma_start3A_65 : memref<1x128xi32, #tpu.memory_space<vmem>> -> memref<128xi32, #tpu.memory_space<vmem>>
    %dma_start3A_67 = arith.constant 0 : i32
    %dma_start3A_68 = arith.constant 0 : i32
    %dma_start3A_69 = tpu.memref_slice %arg2[%dma_start3A_67, %dma_start3A_68] : memref<1000x32xf32, #tpu.memory_space<hbm>> -> memref<1000x32xf32, #tpu.memory_space<hbm>>
    tpu.enqueue_indirect_dma source(%dma_start3A_69 : memref<1000x32xf32, #tpu.memory_space<hbm>>) target(%dma_start3A_63 : memref<128x32xf32, #tpu.memory_space<vmem>>) offsets(%dma_start3A_66 : memref<128xi32, #tpu.memory_space<vmem>>) semaphore(%arg7 : memref<!tpu.dma_semaphore, #tpu.memory_space<semaphore_mem>>)
    %dma_wait3A_70 = arith.constant 2 : i32
    %dma_wait3A_71 = arith.constant 2 : i32
    %dma_wait3A_72 = arith.constant 0 : i32
    %dma_wait3A_73 = arith.constant 0 : i32
    %dma_wait3A_74 = tpu.memref_slice %arg6[%dma_wait3A_71, %dma_wait3A_72, %dma_wait3A_73] : memref<8x128x32xf32, #tpu.memory_space<vmem>> -> memref<1x128x32xf32, #tpu.memory_space<vmem>>
    %dma_wait3A_75 = tpu.memref_squeeze %dma_wait3A_74 : memref<1x128x32xf32, #tpu.memory_space<vmem>> -> memref<128x32xf32, #tpu.memory_space<vmem>>
    %dma_wait3A_76 = arith.constant 0 : i32
    %dma_wait3A_77 = tpu.memref_slice %arg5[%dma_wait3A_70, %dma_wait3A_76] : memref<8x128xi32, #tpu.memory_space<vmem>> -> memref<1x128xi32, #tpu.memory_space<vmem>>
    %dma_wait3A_78 = tpu.memref_squeeze %dma_wait3A_77 : memref<1x128xi32, #tpu.memory_space<vmem>> -> memref<128xi32, #tpu.memory_space<vmem>>
    %dma_wait3A_79 = arith.constant 0 : i32
    %dma_wait3A_80 = arith.constant 0 : i32
    %dma_wait3A_81 = tpu.memref_slice %arg2[%dma_wait3A_79, %dma_wait3A_80] : memref<1000x32xf32, #tpu.memory_space<hbm>> -> memref<1000x32xf32, #tpu.memory_space<hbm>>
    tpu.wait_indirect_dma semaphore(%arg7 : memref<!tpu.dma_semaphore, #tpu.memory_space<semaphore_mem>>) src(%dma_wait3A_81 : memref<1000x32xf32, #tpu.memory_space<hbm>>) dst(%dma_wait3A_75 : memref<128x32xf32, #tpu.memory_space<vmem>>)
    %mul3A_82 = arith.constant 1024 : i32
    %mul3A_83 = arith.muli %add3A, %mul3A_82 : i32
    %add3A_84 = arith.constant 256 : i32
    %add3A_85 = arith.addi %mul3A_83, %add3A_84 : i32
    %run_scoped3A_86 = arith.constant 2 : i32
    "tpu.region"() ({
      %run_scoped3A_232 = tpu.sem_alloc : memref<!tpu.dma_semaphore, #tpu.memory_space<semaphore_mem>>
      %dma_start3A_233 = arith.constant 0 : i32
      %dma_start3A_234 = arith.constant 0 : i32
      %dma_start3A_235 = tpu.memref_slice %arg6[%run_scoped3A_86, %dma_start3A_233, %dma_start3A_234] : memref<8x128x32xf32, #tpu.memory_space<vmem>> -> memref<1x128x32xf32, #tpu.memory_space<vmem>>
      %dma_start3A_236 = tpu.memref_squeeze %dma_start3A_235 : memref<1x128x32xf32, #tpu.memory_space<vmem>> -> memref<128x32xf32, #tpu.memory_space<vmem>>
      %dma_start3A_237 = arith.constant 0 : i32
      %dma_start3A_238 = tpu.memref_slice %arg4[%add3A_85, %dma_start3A_237] : memref<32768x32xf32, #tpu.memory_space<hbm>> -> memref<128x32xf32, #tpu.memory_space<hbm>>
      %dma_start3A_239 = arith.constant 0 : i32
      %dma_start3A_240 = tpu.memref_slice %arg4[%add3A_85, %dma_start3A_239] : memref<32768x32xf32, #tpu.memory_space<hbm>> -> memref<128x32xf32, #tpu.memory_space<hbm>>
      %dma_start3A_241 = arith.constant 0 : i32
      %dma_start3A_242 = arith.constant 0 : i32
      %dma_start3A_243 = tpu.memref_slice %arg6[%run_scoped3A_86, %dma_start3A_241, %dma_start3A_242] : memref<8x128x32xf32, #tpu.memory_space<vmem>> -> memref<1x128x32xf32, #tpu.memory_space<vmem>>
      %dma_start3A_244 = tpu.memref_squeeze %dma_start3A_243 : memref<1x128x32xf32, #tpu.memory_space<vmem>> -> memref<128x32xf32, #tpu.memory_space<vmem>>
      tpu.enqueue_dma source(%dma_start3A_244 : memref<128x32xf32, #tpu.memory_space<vmem>>) target(%dma_start3A_240 : memref<128x32xf32, #tpu.memory_space<hbm>>) target_semaphore(%run_scoped3A_232 : memref<!tpu.dma_semaphore, #tpu.memory_space<semaphore_mem>>)
      %dma_wait3A_245 = arith.constant 0 : i32
      %dma_wait3A_246 = arith.constant 0 : i32
      %dma_wait3A_247 = tpu.memref_slice %arg6[%run_scoped3A_86, %dma_wait3A_245, %dma_wait3A_246] : memref<8x128x32xf32, #tpu.memory_space<vmem>> -> memref<1x128x32xf32, #tpu.memory_space<vmem>>
      %dma_wait3A_248 = tpu.memref_squeeze %dma_wait3A_247 : memref<1x128x32xf32, #tpu.memory_space<vmem>> -> memref<128x32xf32, #tpu.memory_space<vmem>>
      %dma_wait3A_249 = arith.constant 0 : i32
      %dma_wait3A_250 = tpu.memref_slice %arg4[%add3A_85, %dma_wait3A_249] : memref<32768x32xf32, #tpu.memory_space<hbm>> -> memref<128x32xf32, #tpu.memory_space<hbm>>
      %dma_wait3A_251 = arith.constant 0 : i32
      %dma_wait3A_252 = tpu.memref_slice %arg4[%add3A_85, %dma_wait3A_251] : memref<32768x32xf32, #tpu.memory_space<hbm>> -> memref<128x32xf32, #tpu.memory_space<hbm>>
      %dma_wait3A_253 = arith.constant 0 : i32
      %dma_wait3A_254 = arith.constant 0 : i32
      %dma_wait3A_255 = tpu.memref_slice %arg6[%run_scoped3A_86, %dma_wait3A_253, %dma_wait3A_254] : memref<8x128x32xf32, #tpu.memory_space<vmem>> -> memref<1x128x32xf32, #tpu.memory_space<vmem>>
      %dma_wait3A_256 = tpu.memref_squeeze %dma_wait3A_255 : memref<1x128x32xf32, #tpu.memory_space<vmem>> -> memref<128x32xf32, #tpu.memory_space<vmem>>
      tpu.wait_dma2 semaphore(%run_scoped3A_232 : memref<!tpu.dma_semaphore, #tpu.memory_space<semaphore_mem>>) src(%dma_wait3A_256 : memref<128x32xf32, #tpu.memory_space<vmem>>) dst(%dma_wait3A_252 : memref<128x32xf32, #tpu.memory_space<hbm>>)
      tpu.yield
    }) : () -> ()
    %dma_start3A_87 = arith.constant 3 : i32
    %dma_start3A_88 = arith.constant 3 : i32
    %dma_start3A_89 = arith.constant 0 : i32
    %dma_start3A_90 = arith.constant 0 : i32
    %dma_start3A_91 = tpu.memref_slice %arg6[%dma_start3A_88, %dma_start3A_89, %dma_start3A_90] : memref<8x128x32xf32, #tpu.memory_space<vmem>> -> memref<1x128x32xf32, #tpu.memory_space<vmem>>
    %dma_start3A_92 = tpu.memref_squeeze %dma_start3A_91 : memref<1x128x32xf32, #tpu.memory_space<vmem>> -> memref<128x32xf32, #tpu.memory_space<vmem>>
    %dma_start3A_93 = arith.constant 0 : i32
    %dma_start3A_94 = tpu.memref_slice %arg5[%dma_start3A_87, %dma_start3A_93] : memref<8x128xi32, #tpu.memory_space<vmem>> -> memref<1x128xi32, #tpu.memory_space<vmem>>
    %dma_start3A_95 = tpu.memref_squeeze %dma_start3A_94 : memref<1x128xi32, #tpu.memory_space<vmem>> -> memref<128xi32, #tpu.memory_space<vmem>>
    %dma_start3A_96 = arith.constant 0 : i32
    %dma_start3A_97 = arith.constant 0 : i32
    %dma_start3A_98 = tpu.memref_slice %arg2[%dma_start3A_96, %dma_start3A_97] : memref<1000x32xf32, #tpu.memory_space<hbm>> -> memref<1000x32xf32, #tpu.memory_space<hbm>>
    tpu.enqueue_indirect_dma source(%dma_start3A_98 : memref<1000x32xf32, #tpu.memory_space<hbm>>) target(%dma_start3A_92 : memref<128x32xf32, #tpu.memory_space<vmem>>) offsets(%dma_start3A_95 : memref<128xi32, #tpu.memory_space<vmem>>) semaphore(%arg7 : memref<!tpu.dma_semaphore, #tpu.memory_space<semaphore_mem>>)
    %dma_wait3A_99 = arith.constant 3 : i32
    %dma_wait3A_100 = arith.constant 3 : i32
    %dma_wait3A_101 = arith.constant 0 : i32
    %dma_wait3A_102 = arith.constant 0 : i32
    %dma_wait3A_103 = tpu.memref_slice %arg6[%dma_wait3A_100, %dma_wait3A_101, %dma_wait3A_102] : memref<8x128x32xf32, #tpu.memory_space<vmem>> -> memref<1x128x32xf32, #tpu.memory_space<vmem>>
    %dma_wait3A_104 = tpu.memref_squeeze %dma_wait3A_103 : memref<1x128x32xf32, #tpu.memory_space<vmem>> -> memref<128x32xf32, #tpu.memory_space<vmem>>
    %dma_wait3A_105 = arith.constant 0 : i32
    %dma_wait3A_106 = tpu.memref_slice %arg5[%dma_wait3A_99, %dma_wait3A_105] : memref<8x128xi32, #tpu.memory_space<vmem>> -> memref<1x128xi32, #tpu.memory_space<vmem>>
    %dma_wait3A_107 = tpu.memref_squeeze %dma_wait3A_106 : memref<1x128xi32, #tpu.memory_space<vmem>> -> memref<128xi32, #tpu.memory_space<vmem>>
    %dma_wait3A_108 = arith.constant 0 : i32
    %dma_wait3A_109 = arith.constant 0 : i32
    %dma_wait3A_110 = tpu.memref_slice %arg2[%dma_wait3A_108, %dma_wait3A_109] : memref<1000x32xf32, #tpu.memory_space<hbm>> -> memref<1000x32xf32, #tpu.memory_space<hbm>>
    tpu.wait_indirect_dma semaphore(%arg7 : memref<!tpu.dma_semaphore, #tpu.memory_space<semaphore_mem>>) src(%dma_wait3A_110 : memref<1000x32xf32, #tpu.memory_space<hbm>>) dst(%dma_wait3A_104 : memref<128x32xf32, #tpu.memory_space<vmem>>)
    %mul3A_111 = arith.constant 1024 : i32
    %mul3A_112 = arith.muli %add3A, %mul3A_111 : i32
    %add3A_113 = arith.constant 384 : i32
    %add3A_114 = arith.addi %mul3A_112, %add3A_113 : i32
    %run_scoped3A_115 = arith.constant 3 : i32
    "tpu.region"() ({
      %run_scoped3A_232 = tpu.sem_alloc : memref<!tpu.dma_semaphore, #tpu.memory_space<semaphore_mem>>
      %dma_start3A_233 = arith.constant 0 : i32
      %dma_start3A_234 = arith.constant 0 : i32
      %dma_start3A_235 = tpu.memref_slice %arg6[%run_scoped3A_115, %dma_start3A_233, %dma_start3A_234] : memref<8x128x32xf32, #tpu.memory_space<vmem>> -> memref<1x128x32xf32, #tpu.memory_space<vmem>>
      %dma_start3A_236 = tpu.memref_squeeze %dma_start3A_235 : memref<1x128x32xf32, #tpu.memory_space<vmem>> -> memref<128x32xf32, #tpu.memory_space<vmem>>
      %dma_start3A_237 = arith.constant 0 : i32
      %dma_start3A_238 = tpu.memref_slice %arg4[%add3A_114, %dma_start3A_237] : memref<32768x32xf32, #tpu.memory_space<hbm>> -> memref<128x32xf32, #tpu.memory_space<hbm>>
      %dma_start3A_239 = arith.constant 0 : i32
      %dma_start3A_240 = tpu.memref_slice %arg4[%add3A_114, %dma_start3A_239] : memref<32768x32xf32, #tpu.memory_space<hbm>> -> memref<128x32xf32, #tpu.memory_space<hbm>>
      %dma_start3A_241 = arith.constant 0 : i32
      %dma_start3A_242 = arith.constant 0 : i32
      %dma_start3A_243 = tpu.memref_slice %arg6[%run_scoped3A_115, %dma_start3A_241, %dma_start3A_242] : memref<8x128x32xf32, #tpu.memory_space<vmem>> -> memref<1x128x32xf32, #tpu.memory_space<vmem>>
      %dma_start3A_244 = tpu.memref_squeeze %dma_start3A_243 : memref<1x128x32xf32, #tpu.memory_space<vmem>> -> memref<128x32xf32, #tpu.memory_space<vmem>>
      tpu.enqueue_dma source(%dma_start3A_244 : memref<128x32xf32, #tpu.memory_space<vmem>>) target(%dma_start3A_240 : memref<128x32xf32, #tpu.memory_space<hbm>>) target_semaphore(%run_scoped3A_232 : memref<!tpu.dma_semaphore, #tpu.memory_space<semaphore_mem>>)
      %dma_wait3A_245 = arith.constant 0 : i32
      %dma_wait3A_246 = arith.constant 0 : i32
      %dma_wait3A_247 = tpu.memref_slice %arg6[%run_scoped3A_115, %dma_wait3A_245, %dma_wait3A_246] : memref<8x128x32xf32, #tpu.memory_space<vmem>> -> memref<1x128x32xf32, #tpu.memory_space<vmem>>
      %dma_wait3A_248 = tpu.memref_squeeze %dma_wait3A_247 : memref<1x128x32xf32, #tpu.memory_space<vmem>> -> memref<128x32xf32, #tpu.memory_space<vmem>>
      %dma_wait3A_249 = arith.constant 0 : i32
      %dma_wait3A_250 = tpu.memref_slice %arg4[%add3A_114, %dma_wait3A_249] : memref<32768x32xf32, #tpu.memory_space<hbm>> -> memref<128x32xf32, #tpu.memory_space<hbm>>
      %dma_wait3A_251 = arith.constant 0 : i32
      %dma_wait3A_252 = tpu.memref_slice %arg4[%add3A_114, %dma_wait3A_251] : memref<32768x32xf32, #tpu.memory_space<hbm>> -> memref<128x32xf32, #tpu.memory_space<hbm>>
      %dma_wait3A_253 = arith.constant 0 : i32
      %dma_wait3A_254 = arith.constant 0 : i32
      %dma_wait3A_255 = tpu.memref_slice %arg6[%run_scoped3A_115, %dma_wait3A_253, %dma_wait3A_254] : memref<8x128x32xf32, #tpu.memory_space<vmem>> -> memref<1x128x32xf32, #tpu.memory_space<vmem>>
      %dma_wait3A_256 = tpu.memref_squeeze %dma_wait3A_255 : memref<1x128x32xf32, #tpu.memory_space<vmem>> -> memref<128x32xf32, #tpu.memory_space<vmem>>
      tpu.wait_dma2 semaphore(%run_scoped3A_232 : memref<!tpu.dma_semaphore, #tpu.memory_space<semaphore_mem>>) src(%dma_wait3A_256 : memref<128x32xf32, #tpu.memory_space<vmem>>) dst(%dma_wait3A_252 : memref<128x32xf32, #tpu.memory_space<hbm>>)
      tpu.yield
    }) : () -> ()
    %dma_start3A_116 = arith.constant 4 : i32
    %dma_start3A_117 = arith.constant 4 : i32
    %dma_start3A_118 = arith.constant 0 : i32
    %dma_start3A_119 = arith.constant 0 : i32
    %dma_start3A_120 = tpu.memref_slice %arg6[%dma_start3A_117, %dma_start3A_118, %dma_start3A_119] : memref<8x128x32xf32, #tpu.memory_space<vmem>> -> memref<1x128x32xf32, #tpu.memory_space<vmem>>
    %dma_start3A_121 = tpu.memref_squeeze %dma_start3A_120 : memref<1x128x32xf32, #tpu.memory_space<vmem>> -> memref<128x32xf32, #tpu.memory_space<vmem>>
    %dma_start3A_122 = arith.constant 0 : i32
    %dma_start3A_123 = tpu.memref_slice %arg5[%dma_start3A_116, %dma_start3A_122] : memref<8x128xi32, #tpu.memory_space<vmem>> -> memref<1x128xi32, #tpu.memory_space<vmem>>
    %dma_start3A_124 = tpu.memref_squeeze %dma_start3A_123 : memref<1x128xi32, #tpu.memory_space<vmem>> -> memref<128xi32, #tpu.memory_space<vmem>>
    %dma_start3A_125 = arith.constant 0 : i32
    %dma_start3A_126 = arith.constant 0 : i32
    %dma_start3A_127 = tpu.memref_slice %arg2[%dma_start3A_125, %dma_start3A_126] : memref<1000x32xf32, #tpu.memory_space<hbm>> -> memref<1000x32xf32, #tpu.memory_space<hbm>>
    tpu.enqueue_indirect_dma source(%dma_start3A_127 : memref<1000x32xf32, #tpu.memory_space<hbm>>) target(%dma_start3A_121 : memref<128x32xf32, #tpu.memory_space<vmem>>) offsets(%dma_start3A_124 : memref<128xi32, #tpu.memory_space<vmem>>) semaphore(%arg7 : memref<!tpu.dma_semaphore, #tpu.memory_space<semaphore_mem>>)
    %dma_wait3A_128 = arith.constant 4 : i32
    %dma_wait3A_129 = arith.constant 4 : i32
    %dma_wait3A_130 = arith.constant 0 : i32
    %dma_wait3A_131 = arith.constant 0 : i32
    %dma_wait3A_132 = tpu.memref_slice %arg6[%dma_wait3A_129, %dma_wait3A_130, %dma_wait3A_131] : memref<8x128x32xf32, #tpu.memory_space<vmem>> -> memref<1x128x32xf32, #tpu.memory_space<vmem>>
    %dma_wait3A_133 = tpu.memref_squeeze %dma_wait3A_132 : memref<1x128x32xf32, #tpu.memory_space<vmem>> -> memref<128x32xf32, #tpu.memory_space<vmem>>
    %dma_wait3A_134 = arith.constant 0 : i32
    %dma_wait3A_135 = tpu.memref_slice %arg5[%dma_wait3A_128, %dma_wait3A_134] : memref<8x128xi32, #tpu.memory_space<vmem>> -> memref<1x128xi32, #tpu.memory_space<vmem>>
    %dma_wait3A_136 = tpu.memref_squeeze %dma_wait3A_135 : memref<1x128xi32, #tpu.memory_space<vmem>> -> memref<128xi32, #tpu.memory_space<vmem>>
    %dma_wait3A_137 = arith.constant 0 : i32
    %dma_wait3A_138 = arith.constant 0 : i32
    %dma_wait3A_139 = tpu.memref_slice %arg2[%dma_wait3A_137, %dma_wait3A_138] : memref<1000x32xf32, #tpu.memory_space<hbm>> -> memref<1000x32xf32, #tpu.memory_space<hbm>>
    tpu.wait_indirect_dma semaphore(%arg7 : memref<!tpu.dma_semaphore, #tpu.memory_space<semaphore_mem>>) src(%dma_wait3A_139 : memref<1000x32xf32, #tpu.memory_space<hbm>>) dst(%dma_wait3A_133 : memref<128x32xf32, #tpu.memory_space<vmem>>)
    %mul3A_140 = arith.constant 1024 : i32
    %mul3A_141 = arith.muli %add3A, %mul3A_140 : i32
    %add3A_142 = arith.constant 512 : i32
    %add3A_143 = arith.addi %mul3A_141, %add3A_142 : i32
    %run_scoped3A_144 = arith.constant 4 : i32
    "tpu.region"() ({
      %run_scoped3A_232 = tpu.sem_alloc : memref<!tpu.dma_semaphore, #tpu.memory_space<semaphore_mem>>
      %dma_start3A_233 = arith.constant 0 : i32
      %dma_start3A_234 = arith.constant 0 : i32
      %dma_start3A_235 = tpu.memref_slice %arg6[%run_scoped3A_144, %dma_start3A_233, %dma_start3A_234] : memref<8x128x32xf32, #tpu.memory_space<vmem>> -> memref<1x128x32xf32, #tpu.memory_space<vmem>>
      %dma_start3A_236 = tpu.memref_squeeze %dma_start3A_235 : memref<1x128x32xf32, #tpu.memory_space<vmem>> -> memref<128x32xf32, #tpu.memory_space<vmem>>
      %dma_start3A_237 = arith.constant 0 : i32
      %dma_start3A_238 = tpu.memref_slice %arg4[%add3A_143, %dma_start3A_237] : memref<32768x32xf32, #tpu.memory_space<hbm>> -> memref<128x32xf32, #tpu.memory_space<hbm>>
      %dma_start3A_239 = arith.constant 0 : i32
      %dma_start3A_240 = tpu.memref_slice %arg4[%add3A_143, %dma_start3A_239] : memref<32768x32xf32, #tpu.memory_space<hbm>> -> memref<128x32xf32, #tpu.memory_space<hbm>>
      %dma_start3A_241 = arith.constant 0 : i32
      %dma_start3A_242 = arith.constant 0 : i32
      %dma_start3A_243 = tpu.memref_slice %arg6[%run_scoped3A_144, %dma_start3A_241, %dma_start3A_242] : memref<8x128x32xf32, #tpu.memory_space<vmem>> -> memref<1x128x32xf32, #tpu.memory_space<vmem>>
      %dma_start3A_244 = tpu.memref_squeeze %dma_start3A_243 : memref<1x128x32xf32, #tpu.memory_space<vmem>> -> memref<128x32xf32, #tpu.memory_space<vmem>>
      tpu.enqueue_dma source(%dma_start3A_244 : memref<128x32xf32, #tpu.memory_space<vmem>>) target(%dma_start3A_240 : memref<128x32xf32, #tpu.memory_space<hbm>>) target_semaphore(%run_scoped3A_232 : memref<!tpu.dma_semaphore, #tpu.memory_space<semaphore_mem>>)
      %dma_wait3A_245 = arith.constant 0 : i32
      %dma_wait3A_246 = arith.constant 0 : i32
      %dma_wait3A_247 = tpu.memref_slice %arg6[%run_scoped3A_144, %dma_wait3A_245, %dma_wait3A_246] : memref<8x128x32xf32, #tpu.memory_space<vmem>> -> memref<1x128x32xf32, #tpu.memory_space<vmem>>
      %dma_wait3A_248 = tpu.memref_squeeze %dma_wait3A_247 : memref<1x128x32xf32, #tpu.memory_space<vmem>> -> memref<128x32xf32, #tpu.memory_space<vmem>>
      %dma_wait3A_249 = arith.constant 0 : i32
      %dma_wait3A_250 = tpu.memref_slice %arg4[%add3A_143, %dma_wait3A_249] : memref<32768x32xf32, #tpu.memory_space<hbm>> -> memref<128x32xf32, #tpu.memory_space<hbm>>
      %dma_wait3A_251 = arith.constant 0 : i32
      %dma_wait3A_252 = tpu.memref_slice %arg4[%add3A_143, %dma_wait3A_251] : memref<32768x32xf32, #tpu.memory_space<hbm>> -> memref<128x32xf32, #tpu.memory_space<hbm>>
      %dma_wait3A_253 = arith.constant 0 : i32
      %dma_wait3A_254 = arith.constant 0 : i32
      %dma_wait3A_255 = tpu.memref_slice %arg6[%run_scoped3A_144, %dma_wait3A_253, %dma_wait3A_254] : memref<8x128x32xf32, #tpu.memory_space<vmem>> -> memref<1x128x32xf32, #tpu.memory_space<vmem>>
      %dma_wait3A_256 = tpu.memref_squeeze %dma_wait3A_255 : memref<1x128x32xf32, #tpu.memory_space<vmem>> -> memref<128x32xf32, #tpu.memory_space<vmem>>
      tpu.wait_dma2 semaphore(%run_scoped3A_232 : memref<!tpu.dma_semaphore, #tpu.memory_space<semaphore_mem>>) src(%dma_wait3A_256 : memref<128x32xf32, #tpu.memory_space<vmem>>) dst(%dma_wait3A_252 : memref<128x32xf32, #tpu.memory_space<hbm>>)
      tpu.yield
    }) : () -> ()
    %dma_start3A_145 = arith.constant 5 : i32
    %dma_start3A_146 = arith.constant 5 : i32
    %dma_start3A_147 = arith.constant 0 : i32
    %dma_start3A_148 = arith.constant 0 : i32
    %dma_start3A_149 = tpu.memref_slice %arg6[%dma_start3A_146, %dma_start3A_147, %dma_start3A_148] : memref<8x128x32xf32, #tpu.memory_space<vmem>> -> memref<1x128x32xf32, #tpu.memory_space<vmem>>
    %dma_start3A_150 = tpu.memref_squeeze %dma_start3A_149 : memref<1x128x32xf32, #tpu.memory_space<vmem>> -> memref<128x32xf32, #tpu.memory_space<vmem>>
    %dma_start3A_151 = arith.constant 0 : i32
    %dma_start3A_152 = tpu.memref_slice %arg5[%dma_start3A_145, %dma_start3A_151] : memref<8x128xi32, #tpu.memory_space<vmem>> -> memref<1x128xi32, #tpu.memory_space<vmem>>
    %dma_start3A_153 = tpu.memref_squeeze %dma_start3A_152 : memref<1x128xi32, #tpu.memory_space<vmem>> -> memref<128xi32, #tpu.memory_space<vmem>>
    %dma_start3A_154 = arith.constant 0 : i32
    %dma_start3A_155 = arith.constant 0 : i32
    %dma_start3A_156 = tpu.memref_slice %arg2[%dma_start3A_154, %dma_start3A_155] : memref<1000x32xf32, #tpu.memory_space<hbm>> -> memref<1000x32xf32, #tpu.memory_space<hbm>>
    tpu.enqueue_indirect_dma source(%dma_start3A_156 : memref<1000x32xf32, #tpu.memory_space<hbm>>) target(%dma_start3A_150 : memref<128x32xf32, #tpu.memory_space<vmem>>) offsets(%dma_start3A_153 : memref<128xi32, #tpu.memory_space<vmem>>) semaphore(%arg7 : memref<!tpu.dma_semaphore, #tpu.memory_space<semaphore_mem>>)
    %dma_wait3A_157 = arith.constant 5 : i32
    %dma_wait3A_158 = arith.constant 5 : i32
    %dma_wait3A_159 = arith.constant 0 : i32
    %dma_wait3A_160 = arith.constant 0 : i32
    %dma_wait3A_161 = tpu.memref_slice %arg6[%dma_wait3A_158, %dma_wait3A_159, %dma_wait3A_160] : memref<8x128x32xf32, #tpu.memory_space<vmem>> -> memref<1x128x32xf32, #tpu.memory_space<vmem>>
    %dma_wait3A_162 = tpu.memref_squeeze %dma_wait3A_161 : memref<1x128x32xf32, #tpu.memory_space<vmem>> -> memref<128x32xf32, #tpu.memory_space<vmem>>
    %dma_wait3A_163 = arith.constant 0 : i32
    %dma_wait3A_164 = tpu.memref_slice %arg5[%dma_wait3A_157, %dma_wait3A_163] : memref<8x128xi32, #tpu.memory_space<vmem>> -> memref<1x128xi32, #tpu.memory_space<vmem>>
    %dma_wait3A_165 = tpu.memref_squeeze %dma_wait3A_164 : memref<1x128xi32, #tpu.memory_space<vmem>> -> memref<128xi32, #tpu.memory_space<vmem>>
    %dma_wait3A_166 = arith.constant 0 : i32
    %dma_wait3A_167 = arith.constant 0 : i32
    %dma_wait3A_168 = tpu.memref_slice %arg2[%dma_wait3A_166, %dma_wait3A_167] : memref<1000x32xf32, #tpu.memory_space<hbm>> -> memref<1000x32xf32, #tpu.memory_space<hbm>>
    tpu.wait_indirect_dma semaphore(%arg7 : memref<!tpu.dma_semaphore, #tpu.memory_space<semaphore_mem>>) src(%dma_wait3A_168 : memref<1000x32xf32, #tpu.memory_space<hbm>>) dst(%dma_wait3A_162 : memref<128x32xf32, #tpu.memory_space<vmem>>)
    %mul3A_169 = arith.constant 1024 : i32
    %mul3A_170 = arith.muli %add3A, %mul3A_169 : i32
    %add3A_171 = arith.constant 640 : i32
    %add3A_172 = arith.addi %mul3A_170, %add3A_171 : i32
    %run_scoped3A_173 = arith.constant 5 : i32
    "tpu.region"() ({
      %run_scoped3A_232 = tpu.sem_alloc : memref<!tpu.dma_semaphore, #tpu.memory_space<semaphore_mem>>
      %dma_start3A_233 = arith.constant 0 : i32
      %dma_start3A_234 = arith.constant 0 : i32
      %dma_start3A_235 = tpu.memref_slice %arg6[%run_scoped3A_173, %dma_start3A_233, %dma_start3A_234] : memref<8x128x32xf32, #tpu.memory_space<vmem>> -> memref<1x128x32xf32, #tpu.memory_space<vmem>>
      %dma_start3A_236 = tpu.memref_squeeze %dma_start3A_235 : memref<1x128x32xf32, #tpu.memory_space<vmem>> -> memref<128x32xf32, #tpu.memory_space<vmem>>
      %dma_start3A_237 = arith.constant 0 : i32
      %dma_start3A_238 = tpu.memref_slice %arg4[%add3A_172, %dma_start3A_237] : memref<32768x32xf32, #tpu.memory_space<hbm>> -> memref<128x32xf32, #tpu.memory_space<hbm>>
      %dma_start3A_239 = arith.constant 0 : i32
      %dma_start3A_240 = tpu.memref_slice %arg4[%add3A_172, %dma_start3A_239] : memref<32768x32xf32, #tpu.memory_space<hbm>> -> memref<128x32xf32, #tpu.memory_space<hbm>>
      %dma_start3A_241 = arith.constant 0 : i32
      %dma_start3A_242 = arith.constant 0 : i32
      %dma_start3A_243 = tpu.memref_slice %arg6[%run_scoped3A_173, %dma_start3A_241, %dma_start3A_242] : memref<8x128x32xf32, #tpu.memory_space<vmem>> -> memref<1x128x32xf32, #tpu.memory_space<vmem>>
      %dma_start3A_244 = tpu.memref_squeeze %dma_start3A_243 : memref<1x128x32xf32, #tpu.memory_space<vmem>> -> memref<128x32xf32, #tpu.memory_space<vmem>>
      tpu.enqueue_dma source(%dma_start3A_244 : memref<128x32xf32, #tpu.memory_space<vmem>>) target(%dma_start3A_240 : memref<128x32xf32, #tpu.memory_space<hbm>>) target_semaphore(%run_scoped3A_232 : memref<!tpu.dma_semaphore, #tpu.memory_space<semaphore_mem>>)
      %dma_wait3A_245 = arith.constant 0 : i32
      %dma_wait3A_246 = arith.constant 0 : i32
      %dma_wait3A_247 = tpu.memref_slice %arg6[%run_scoped3A_173, %dma_wait3A_245, %dma_wait3A_246] : memref<8x128x32xf32, #tpu.memory_space<vmem>> -> memref<1x128x32xf32, #tpu.memory_space<vmem>>
      %dma_wait3A_248 = tpu.memref_squeeze %dma_wait3A_247 : memref<1x128x32xf32, #tpu.memory_space<vmem>> -> memref<128x32xf32, #tpu.memory_space<vmem>>
      %dma_wait3A_249 = arith.constant 0 : i32
      %dma_wait3A_250 = tpu.memref_slice %arg4[%add3A_172, %dma_wait3A_249] : memref<32768x32xf32, #tpu.memory_space<hbm>> -> memref<128x32xf32, #tpu.memory_space<hbm>>
      %dma_wait3A_251 = arith.constant 0 : i32
      %dma_wait3A_252 = tpu.memref_slice %arg4[%add3A_172, %dma_wait3A_251] : memref<32768x32xf32, #tpu.memory_space<hbm>> -> memref<128x32xf32, #tpu.memory_space<hbm>>
      %dma_wait3A_253 = arith.constant 0 : i32
      %dma_wait3A_254 = arith.constant 0 : i32
      %dma_wait3A_255 = tpu.memref_slice %arg6[%run_scoped3A_173, %dma_wait3A_253, %dma_wait3A_254] : memref<8x128x32xf32, #tpu.memory_space<vmem>> -> memref<1x128x32xf32, #tpu.memory_space<vmem>>
      %dma_wait3A_256 = tpu.memref_squeeze %dma_wait3A_255 : memref<1x128x32xf32, #tpu.memory_space<vmem>> -> memref<128x32xf32, #tpu.memory_space<vmem>>
      tpu.wait_dma2 semaphore(%run_scoped3A_232 : memref<!tpu.dma_semaphore, #tpu.memory_space<semaphore_mem>>) src(%dma_wait3A_256 : memref<128x32xf32, #tpu.memory_space<vmem>>) dst(%dma_wait3A_252 : memref<128x32xf32, #tpu.memory_space<hbm>>)
      tpu.yield
    }) : () -> ()
    %dma_start3A_174 = arith.constant 6 : i32
    %dma_start3A_175 = arith.constant 6 : i32
    %dma_start3A_176 = arith.constant 0 : i32
    %dma_start3A_177 = arith.constant 0 : i32
    %dma_start3A_178 = tpu.memref_slice %arg6[%dma_start3A_175, %dma_start3A_176, %dma_start3A_177] : memref<8x128x32xf32, #tpu.memory_space<vmem>> -> memref<1x128x32xf32, #tpu.memory_space<vmem>>
    %dma_start3A_179 = tpu.memref_squeeze %dma_start3A_178 : memref<1x128x32xf32, #tpu.memory_space<vmem>> -> memref<128x32xf32, #tpu.memory_space<vmem>>
    %dma_start3A_180 = arith.constant 0 : i32
    %dma_start3A_181 = tpu.memref_slice %arg5[%dma_start3A_174, %dma_start3A_180] : memref<8x128xi32, #tpu.memory_space<vmem>> -> memref<1x128xi32, #tpu.memory_space<vmem>>
    %dma_start3A_182 = tpu.memref_squeeze %dma_start3A_181 : memref<1x128xi32, #tpu.memory_space<vmem>> -> memref<128xi32, #tpu.memory_space<vmem>>
    %dma_start3A_183 = arith.constant 0 : i32
    %dma_start3A_184 = arith.constant 0 : i32
    %dma_start3A_185 = tpu.memref_slice %arg2[%dma_start3A_183, %dma_start3A_184] : memref<1000x32xf32, #tpu.memory_space<hbm>> -> memref<1000x32xf32, #tpu.memory_space<hbm>>
    tpu.enqueue_indirect_dma source(%dma_start3A_185 : memref<1000x32xf32, #tpu.memory_space<hbm>>) target(%dma_start3A_179 : memref<128x32xf32, #tpu.memory_space<vmem>>) offsets(%dma_start3A_182 : memref<128xi32, #tpu.memory_space<vmem>>) semaphore(%arg7 : memref<!tpu.dma_semaphore, #tpu.memory_space<semaphore_mem>>)
    %dma_wait3A_186 = arith.constant 6 : i32
    %dma_wait3A_187 = arith.constant 6 : i32
    %dma_wait3A_188 = arith.constant 0 : i32
    %dma_wait3A_189 = arith.constant 0 : i32
    %dma_wait3A_190 = tpu.memref_slice %arg6[%dma_wait3A_187, %dma_wait3A_188, %dma_wait3A_189] : memref<8x128x32xf32, #tpu.memory_space<vmem>> -> memref<1x128x32xf32, #tpu.memory_space<vmem>>
    %dma_wait3A_191 = tpu.memref_squeeze %dma_wait3A_190 : memref<1x128x32xf32, #tpu.memory_space<vmem>> -> memref<128x32xf32, #tpu.memory_space<vmem>>
    %dma_wait3A_192 = arith.constant 0 : i32
    %dma_wait3A_193 = tpu.memref_slice %arg5[%dma_wait3A_186, %dma_wait3A_192] : memref<8x128xi32, #tpu.memory_space<vmem>> -> memref<1x128xi32, #tpu.memory_space<vmem>>
    %dma_wait3A_194 = tpu.memref_squeeze %dma_wait3A_193 : memref<1x128xi32, #tpu.memory_space<vmem>> -> memref<128xi32, #tpu.memory_space<vmem>>
    %dma_wait3A_195 = arith.constant 0 : i32
    %dma_wait3A_196 = arith.constant 0 : i32
    %dma_wait3A_197 = tpu.memref_slice %arg2[%dma_wait3A_195, %dma_wait3A_196] : memref<1000x32xf32, #tpu.memory_space<hbm>> -> memref<1000x32xf32, #tpu.memory_space<hbm>>
    tpu.wait_indirect_dma semaphore(%arg7 : memref<!tpu.dma_semaphore, #tpu.memory_space<semaphore_mem>>) src(%dma_wait3A_197 : memref<1000x32xf32, #tpu.memory_space<hbm>>) dst(%dma_wait3A_191 : memref<128x32xf32, #tpu.memory_space<vmem>>)
    %mul3A_198 = arith.constant 1024 : i32
    %mul3A_199 = arith.muli %add3A, %mul3A_198 : i32
    %add3A_200 = arith.constant 768 : i32
    %add3A_201 = arith.addi %mul3A_199, %add3A_200 : i32
    %run_scoped3A_202 = arith.constant 6 : i32
    "tpu.region"() ({
      %run_scoped3A_232 = tpu.sem_alloc : memref<!tpu.dma_semaphore, #tpu.memory_space<semaphore_mem>>
      %dma_start3A_233 = arith.constant 0 : i32
      %dma_start3A_234 = arith.constant 0 : i32
      %dma_start3A_235 = tpu.memref_slice %arg6[%run_scoped3A_202, %dma_start3A_233, %dma_start3A_234] : memref<8x128x32xf32, #tpu.memory_space<vmem>> -> memref<1x128x32xf32, #tpu.memory_space<vmem>>
      %dma_start3A_236 = tpu.memref_squeeze %dma_start3A_235 : memref<1x128x32xf32, #tpu.memory_space<vmem>> -> memref<128x32xf32, #tpu.memory_space<vmem>>
      %dma_start3A_237 = arith.constant 0 : i32
      %dma_start3A_238 = tpu.memref_slice %arg4[%add3A_201, %dma_start3A_237] : memref<32768x32xf32, #tpu.memory_space<hbm>> -> memref<128x32xf32, #tpu.memory_space<hbm>>
      %dma_start3A_239 = arith.constant 0 : i32
      %dma_start3A_240 = tpu.memref_slice %arg4[%add3A_201, %dma_start3A_239] : memref<32768x32xf32, #tpu.memory_space<hbm>> -> memref<128x32xf32, #tpu.memory_space<hbm>>
      %dma_start3A_241 = arith.constant 0 : i32
      %dma_start3A_242 = arith.constant 0 : i32
      %dma_start3A_243 = tpu.memref_slice %arg6[%run_scoped3A_202, %dma_start3A_241, %dma_start3A_242] : memref<8x128x32xf32, #tpu.memory_space<vmem>> -> memref<1x128x32xf32, #tpu.memory_space<vmem>>
      %dma_start3A_244 = tpu.memref_squeeze %dma_start3A_243 : memref<1x128x32xf32, #tpu.memory_space<vmem>> -> memref<128x32xf32, #tpu.memory_space<vmem>>
      tpu.enqueue_dma source(%dma_start3A_244 : memref<128x32xf32, #tpu.memory_space<vmem>>) target(%dma_start3A_240 : memref<128x32xf32, #tpu.memory_space<hbm>>) target_semaphore(%run_scoped3A_232 : memref<!tpu.dma_semaphore, #tpu.memory_space<semaphore_mem>>)
      %dma_wait3A_245 = arith.constant 0 : i32
      %dma_wait3A_246 = arith.constant 0 : i32
      %dma_wait3A_247 = tpu.memref_slice %arg6[%run_scoped3A_202, %dma_wait3A_245, %dma_wait3A_246] : memref<8x128x32xf32, #tpu.memory_space<vmem>> -> memref<1x128x32xf32, #tpu.memory_space<vmem>>
      %dma_wait3A_248 = tpu.memref_squeeze %dma_wait3A_247 : memref<1x128x32xf32, #tpu.memory_space<vmem>> -> memref<128x32xf32, #tpu.memory_space<vmem>>
      %dma_wait3A_249 = arith.constant 0 : i32
      %dma_wait3A_250 = tpu.memref_slice %arg4[%add3A_201, %dma_wait3A_249] : memref<32768x32xf32, #tpu.memory_space<hbm>> -> memref<128x32xf32, #tpu.memory_space<hbm>>
      %dma_wait3A_251 = arith.constant 0 : i32
      %dma_wait3A_252 = tpu.memref_slice %arg4[%add3A_201, %dma_wait3A_251] : memref<32768x32xf32, #tpu.memory_space<hbm>> -> memref<128x32xf32, #tpu.memory_space<hbm>>
      %dma_wait3A_253 = arith.constant 0 : i32
      %dma_wait3A_254 = arith.constant 0 : i32
      %dma_wait3A_255 = tpu.memref_slice %arg6[%run_scoped3A_202, %dma_wait3A_253, %dma_wait3A_254] : memref<8x128x32xf32, #tpu.memory_space<vmem>> -> memref<1x128x32xf32, #tpu.memory_space<vmem>>
      %dma_wait3A_256 = tpu.memref_squeeze %dma_wait3A_255 : memref<1x128x32xf32, #tpu.memory_space<vmem>> -> memref<128x32xf32, #tpu.memory_space<vmem>>
      tpu.wait_dma2 semaphore(%run_scoped3A_232 : memref<!tpu.dma_semaphore, #tpu.memory_space<semaphore_mem>>) src(%dma_wait3A_256 : memref<128x32xf32, #tpu.memory_space<vmem>>) dst(%dma_wait3A_252 : memref<128x32xf32, #tpu.memory_space<hbm>>)
      tpu.yield
    }) : () -> ()
    %dma_start3A_203 = arith.constant 7 : i32
    %dma_start3A_204 = arith.constant 7 : i32
    %dma_start3A_205 = arith.constant 0 : i32
    %dma_start3A_206 = arith.constant 0 : i32
    %dma_start3A_207 = tpu.memref_slice %arg6[%dma_start3A_204, %dma_start3A_205, %dma_start3A_206] : memref<8x128x32xf32, #tpu.memory_space<vmem>> -> memref<1x128x32xf32, #tpu.memory_space<vmem>>
    %dma_start3A_208 = tpu.memref_squeeze %dma_start3A_207 : memref<1x128x32xf32, #tpu.memory_space<vmem>> -> memref<128x32xf32, #tpu.memory_space<vmem>>
    %dma_start3A_209 = arith.constant 0 : i32
    %dma_start3A_210 = tpu.memref_slice %arg5[%dma_start3A_203, %dma_start3A_209] : memref<8x128xi32, #tpu.memory_space<vmem>> -> memref<1x128xi32, #tpu.memory_space<vmem>>
    %dma_start3A_211 = tpu.memref_squeeze %dma_start3A_210 : memref<1x128xi32, #tpu.memory_space<vmem>> -> memref<128xi32, #tpu.memory_space<vmem>>
    %dma_start3A_212 = arith.constant 0 : i32
    %dma_start3A_213 = arith.constant 0 : i32
    %dma_start3A_214 = tpu.memref_slice %arg2[%dma_start3A_212, %dma_start3A_213] : memref<1000x32xf32, #tpu.memory_space<hbm>> -> memref<1000x32xf32, #tpu.memory_space<hbm>>
    tpu.enqueue_indirect_dma source(%dma_start3A_214 : memref<1000x32xf32, #tpu.memory_space<hbm>>) target(%dma_start3A_208 : memref<128x32xf32, #tpu.memory_space<vmem>>) offsets(%dma_start3A_211 : memref<128xi32, #tpu.memory_space<vmem>>) semaphore(%arg7 : memref<!tpu.dma_semaphore, #tpu.memory_space<semaphore_mem>>)
    %dma_wait3A_215 = arith.constant 7 : i32
    %dma_wait3A_216 = arith.constant 7 : i32
    %dma_wait3A_217 = arith.constant 0 : i32
    %dma_wait3A_218 = arith.constant 0 : i32
    %dma_wait3A_219 = tpu.memref_slice %arg6[%dma_wait3A_216, %dma_wait3A_217, %dma_wait3A_218] : memref<8x128x32xf32, #tpu.memory_space<vmem>> -> memref<1x128x32xf32, #tpu.memory_space<vmem>>
    %dma_wait3A_220 = tpu.memref_squeeze %dma_wait3A_219 : memref<1x128x32xf32, #tpu.memory_space<vmem>> -> memref<128x32xf32, #tpu.memory_space<vmem>>
    %dma_wait3A_221 = arith.constant 0 : i32
    %dma_wait3A_222 = tpu.memref_slice %arg5[%dma_wait3A_215, %dma_wait3A_221] : memref<8x128xi32, #tpu.memory_space<vmem>> -> memref<1x128xi32, #tpu.memory_space<vmem>>
    %dma_wait3A_223 = tpu.memref_squeeze %dma_wait3A_222 : memref<1x128xi32, #tpu.memory_space<vmem>> -> memref<128xi32, #tpu.memory_space<vmem>>
    %dma_wait3A_224 = arith.constant 0 : i32
    %dma_wait3A_225 = arith.constant 0 : i32
    %dma_wait3A_226 = tpu.memref_slice %arg2[%dma_wait3A_224, %dma_wait3A_225] : memref<1000x32xf32, #tpu.memory_space<hbm>> -> memref<1000x32xf32, #tpu.memory_space<hbm>>
    tpu.wait_indirect_dma semaphore(%arg7 : memref<!tpu.dma_semaphore, #tpu.memory_space<semaphore_mem>>) src(%dma_wait3A_226 : memref<1000x32xf32, #tpu.memory_space<hbm>>) dst(%dma_wait3A_220 : memref<128x32xf32, #tpu.memory_space<vmem>>)
    %mul3A_227 = arith.constant 1024 : i32
    %mul3A_228 = arith.muli %add3A, %mul3A_227 : i32
    %add3A_229 = arith.constant 896 : i32
    %add3A_230 = arith.addi %mul3A_228, %add3A_229 : i32
    %run_scoped3A_231 = arith.constant 7 : i32
    "tpu.region"() ({
      %run_scoped3A_232 = tpu.sem_alloc : memref<!tpu.dma_semaphore, #tpu.memory_space<semaphore_mem>>
      %dma_start3A_233 = arith.constant 0 : i32
      %dma_start3A_234 = arith.constant 0 : i32
      %dma_start3A_235 = tpu.memref_slice %arg6[%run_scoped3A_231, %dma_start3A_233, %dma_start3A_234] : memref<8x128x32xf32, #tpu.memory_space<vmem>> -> memref<1x128x32xf32, #tpu.memory_space<vmem>>
      %dma_start3A_236 = tpu.memref_squeeze %dma_start3A_235 : memref<1x128x32xf32, #tpu.memory_space<vmem>> -> memref<128x32xf32, #tpu.memory_space<vmem>>
      %dma_start3A_237 = arith.constant 0 : i32
      %dma_start3A_238 = tpu.memref_slice %arg4[%add3A_230, %dma_start3A_237] : memref<32768x32xf32, #tpu.memory_space<hbm>> -> memref<128x32xf32, #tpu.memory_space<hbm>>
      %dma_start3A_239 = arith.constant 0 : i32
      %dma_start3A_240 = tpu.memref_slice %arg4[%add3A_230, %dma_start3A_239] : memref<32768x32xf32, #tpu.memory_space<hbm>> -> memref<128x32xf32, #tpu.memory_space<hbm>>
      %dma_start3A_241 = arith.constant 0 : i32
      %dma_start3A_242 = arith.constant 0 : i32
      %dma_start3A_243 = tpu.memref_slice %arg6[%run_scoped3A_231, %dma_start3A_241, %dma_start3A_242] : memref<8x128x32xf32, #tpu.memory_space<vmem>> -> memref<1x128x32xf32, #tpu.memory_space<vmem>>
      %dma_start3A_244 = tpu.memref_squeeze %dma_start3A_243 : memref<1x128x32xf32, #tpu.memory_space<vmem>> -> memref<128x32xf32, #tpu.memory_space<vmem>>
      tpu.enqueue_dma source(%dma_start3A_244 : memref<128x32xf32, #tpu.memory_space<vmem>>) target(%dma_start3A_240 : memref<128x32xf32, #tpu.memory_space<hbm>>) target_semaphore(%run_scoped3A_232 : memref<!tpu.dma_semaphore, #tpu.memory_space<semaphore_mem>>)
      %dma_wait3A_245 = arith.constant 0 : i32
      %dma_wait3A_246 = arith.constant 0 : i32
      %dma_wait3A_247 = tpu.memref_slice %arg6[%run_scoped3A_231, %dma_wait3A_245, %dma_wait3A_246] : memref<8x128x32xf32, #tpu.memory_space<vmem>> -> memref<1x128x32xf32, #tpu.memory_space<vmem>>
      %dma_wait3A_248 = tpu.memref_squeeze %dma_wait3A_247 : memref<1x128x32xf32, #tpu.memory_space<vmem>> -> memref<128x32xf32, #tpu.memory_space<vmem>>
      %dma_wait3A_249 = arith.constant 0 : i32
      %dma_wait3A_250 = tpu.memref_slice %arg4[%add3A_230, %dma_wait3A_249] : memref<32768x32xf32, #tpu.memory_space<hbm>> -> memref<128x32xf32, #tpu.memory_space<hbm>>
      %dma_wait3A_251 = arith.constant 0 : i32
      %dma_wait3A_252 = tpu.memref_slice %arg4[%add3A_230, %dma_wait3A_251] : memref<32768x32xf32, #tpu.memory_space<hbm>> -> memref<128x32xf32, #tpu.memory_space<hbm>>
      %dma_wait3A_253 = arith.constant 0 : i32
      %dma_wait3A_254 = arith.constant 0 : i32
      %dma_wait3A_255 = tpu.memref_slice %arg6[%run_scoped3A_231, %dma_wait3A_253, %dma_wait3A_254] : memref<8x128x32xf32, #tpu.memory_space<vmem>> -> memref<1x128x32xf32, #tpu.memory_space<vmem>>
      %dma_wait3A_256 = tpu.memref_squeeze %dma_wait3A_255 : memref<1x128x32xf32, #tpu.memory_space<vmem>> -> memref<128x32xf32, #tpu.memory_space<vmem>>
      tpu.wait_dma2 semaphore(%run_scoped3A_232 : memref<!tpu.dma_semaphore, #tpu.memory_space<semaphore_mem>>) src(%dma_wait3A_256 : memref<128x32xf32, #tpu.memory_space<vmem>>) dst(%dma_wait3A_252 : memref<128x32xf32, #tpu.memory_space<hbm>>)
      tpu.yield
    }) : () -> ()
    return
  }
}

</mosaic_0001>

<sc_bundles>
// kernel: _sc_gather.3.cloned.1.call-start
scs
__scs_entry_jumppad:
0x0: {  	(pc) =	sbr.rel $0x88, $3  }
0x1: {  	(tag) =	ssettag $0x0;
	lr =	simm.s32 $0x1  }
0x2: {  	[smem:$0x3F9F] =	sst lr;
	_ =	strace $0xD0000000  }
0x3: {  	_ = 	snop  }
0x4: {  	_ = 	snop  }
0x5: {  	_ = 	snop  }
0x6: {  	_ = 	snop  }
0x7: {  	_ = 	snop  }
__scs_overlays_trampoline_lowered:
0x8: {  	[smem:$0x3FAE] =	sst s0  }
0x9: {  	[smem:$0x3FAF] =	sst s1  }
0xa: {  	[smem:$0x3FB0] =	sst s2  }
0xb: {  	[smem:$0x3FB1] =	sst s3  }
0xc: {  	[smem:$0x3FB2] =	sst s4  }
0xd: {  	[smem:$0x3FB3] =	sst s5  }
0xe: {  	[smem:$0x3FB4] =	sst s6  }
0xf: {  	[smem:$0x3FB5] =	sst s7  }
0x10: {  	[smem:$0x3FB6] =	sst s8  }
0x11: {  	[smem:$0x3FB7] =	sst s9;
	s0 =	simm.s32 @!p0 $0x0  }
0x12: {  	s1 =	sld [smem:$0x3F9D];
	s0 =	simm.s32 @p0 $0x1  }
0x13: {  	[smem:$0x3FB8] =	sst s0;
	s0 =	simm.s32 @!p1 $0x0  }
0x14: {  	s2 =	sld [smem:$0x3F9C];
	s0 =	simm.s32 @p1 $0x1  }
0x15: {  	[smem:$0x3FB9] =	sst s0;
	s0 =	simm.s32 @!p2 $0x0  }
0x16: {  	s3 =	sld [smem:$0x3FDB];
	s0 =	simm.s32 @p2 $0x1  }
0x17: {  	s4 =	simm.s32 $0x1BF5;
	[smem:$0x3FBB] =	sst s0  }
0x18: {  	s0 =	sld [smem:$0x3F9E];
	_ =	swait.ge [sflag:s4], $0x0  }
0x19: {  	s7 =	sld [smem:$0x3F9F]  }
0x1a: {  	s8 =	sadd.s32 $0xFFFFE003, lr  }
0x1b: {  	s9 =	sadd.s32 $0xFFFFFEF7, lr;
	s5 =	simm.s32 $0xFFFFFFFF;
	p2 =	slt.u32 s8, $0xFFFFF086  }
0x1c: {  	p1 =	slt.u32 s9, $0xF7A;
	s5 =	simm.s32 @!p2 $0x0  }
0x1d: {  	s5 =	simm.s32 @p1 $0x1;
	p0 =	seq.s32 s7, s2  }
0x1e: {  	s7 =	smul.u32 @!p0 $0xF7A, s2;
	p2 =	seq.s32 @!p0 s5, $0x0  }
0x1f: {  	s9 =	smul.u32 $0xF7A, s1;
	s8 =	simm.s32 @!p0 $0x1BF5;
	p2 =	por !p2, p0  }
0x20: {  	[sflag:s8] =	ssyncset.s32 @!p0 $0xFFFFF086;
	s6 =	sadd.s32 @!p0 s3, s7;
	s7 =	simm.s32 @!p0 $0x108  }
0x21: {  	s3 =	sadd.s32 s3, s9;
	s6 =	sadd.s32 @!p0 $0x88, s6;
	s7 =	simm.s32 @p2 $0x1082  }
0x22: {  	[simem:s7], [sflag:s8] =	dma.local @!p0 [hbm:s6], $0xF7A  }
0x23: {  	s9 =	sor.u32 $0xD0000000, s2;
	s6 =	simm.s32 $0x108;
	_ =	swait.ge @!p0 [sflag:s8], $0x0  }
0x24: {  	s3 =	sadd.s32 $0x88, s3;
	s6 =	simm.s32 @!p1 $0x1082;
	[sflag:s4] =	ssyncset.s32 $0xFFFFF086  }
0x25: {  	[simem:s6], [sflag:s4] =	dma.local [hbm:s3], $0xF7A  }
0x26: {  	[smem:$0x3F9F] =	sst s1;
	(tag) =	ssettag s2;
	_ =	strace s9  }
0x27: {  	s1 =	sld [smem:$0x3FAF]  }
0x28: {  	s2 =	sld [smem:$0x3FB0]  }
0x29: {  	s4 =	sld [smem:$0x3FB2]  }
0x2a: {  	p0 =	seq.s32 s5, $0x0;
	s5 =	sld [smem:$0x3FB3]  }
0x2b: {  	s6 =	sld [smem:$0x3FB4]  }
0x2c: {  	s7 =	sld [smem:$0x3FB5]  }
0x2d: {  	s3 =	simm.s32 $0x108;
	s8 =	sld [smem:$0x3FB6]  }
0x2e: {  	s3 =	simm.s32 @!p0 $0x1082;
	s9 =	sld [smem:$0x3FB7]  }
0x2f: {  	lr =	sadd.s32 s0, s3;
	s0 =	sld [smem:$0x3FAE]  }
0x30: {  	s3 =	sld [smem:$0x3FB1]  }
0x31: {  	[smem:$0x3FBA] =	sst s10  }
0x32: {  	s10 =	sld [smem:$0x3FB8];
	_ =	sdelay $0x3  }
0x33: {  	p0 =	seq.s32 s10, $0x1;
	s10 =	sld [smem:$0x3FBA];
	_ =	sdelay $0x3  }
0x34: {  	[smem:$0x3FBA] =	sst s10  }
0x35: {  	s10 =	sld [smem:$0x3FB9];
	_ =	sdelay $0x3  }
0x36: {  	p1 =	seq.s32 s10, $0x1;
	s10 =	sld [smem:$0x3FBA];
	_ =	sdelay $0x3  }
0x37: {  	[smem:$0x3FBA] =	sst s10  }
0x38: {  	s10 =	sld [smem:$0x3FBB]  }
0x39: {  	_ = 	snop;
	(pc) =	sbr.ind lr, $3  }
0x3a: {  	_ = 	snop  }
0x3b: {  	_ = 	snop  }
0x3c: {  	p2 =	seq.s32 s10, $0x1;
	s10 =	sld [smem:$0x3FBA]  }
0x3d: {  	_ =	shalt  }
0x3e: {  	_ =	shalt  }
0x3f: {  	_ =	shalt  }
0x40: {  	_ =	shalt  }
0x41: {  	_ =	shalt  }
0x42: {  	_ =	shalt  }
0x43: {  	_ =	shalt  }
0x44: {  	_ =	shalt  }
0x45: {  	_ =	shalt  }
0x46: {  	_ =	shalt  }
0x47: {  	_ =	shalt  }
0x48: {  	_ =	shalt  }
0x49: {  	_ =	shalt  }
0x4a: {  	_ =	shalt  }
0x4b: {  	_ =	shalt  }
0x4c: {  	_ =	shalt  }
0x4d: {  	_ =	shalt  }
0x4e: {  	_ =	shalt  }
0x4f: {  	_ =	shalt  }
0x50: {  	_ =	shalt  }
0x51: {  	_ =	shalt  }
0x52: {  	_ =	shalt  }
0x53: {  	_ =	shalt  }
0x54: {  	_ =	shalt  }
0x55: {  	_ =	shalt  }
0x56: {  	_ =	shalt  }
0x57: {  	_ =	shalt  }
0x58: {  	_ =	shalt  }
0x59: {  	_ =	shalt  }
0x5a: {  	_ =	shalt  }
0x5b: {  	_ =	shalt  }
0x5c: {  	_ =	shalt  }
0x5d: {  	_ =	shalt  }
0x5e: {  	_ =	shalt  }
0x5f: {  	_ =	shalt  }
0x60: {  	_ =	shalt  }
0x61: {  	_ =	shalt  }
0x62: {  	_ =	shalt  }
0x63: {  	_ =	shalt  }
0x64: {  	_ =	shalt  }
0x65: {  	_ =	shalt  }
0x66: {  	_ =	shalt  }
0x67: {  	_ =	shalt  }
0x68: {  	_ =	shalt  }
0x69: {  	_ =	shalt  }
0x6a: {  	_ =	shalt  }
0x6b: {  	_ =	shalt  }
0x6c: {  	_ =	shalt  }
0x6d: {  	_ =	shalt  }
0x6e: {  	_ =	shalt  }
0x6f: {  	_ =	shalt  }
0x70: {  	_ =	shalt  }
0x71: {  	_ =	shalt  }
0x72: {  	_ =	shalt  }
0x73: {  	_ =	shalt  }
0x74: {  	_ =	shalt  }
0x75: {  	_ =	shalt  }
0x76: {  	_ =	shalt  }
0x77: {  	_ =	shalt  }
0x78: {  	_ =	shalt  }
0x79: {  	_ =	shalt  }
0x7a: {  	_ =	shalt  }
0x7b: {  	_ =	shalt  }
0x7c: {  	_ =	shalt  }
0x7d: {  	_ =	shalt  }
0x7e: {  	_ =	shalt  }
0x7f: {  	_ =	shalt  }
0x80: {  	_ =	shalt  }
0x81: {  	_ =	shalt  }
0x82: {  	_ =	shalt  }
0x83: {  	_ =	shalt  }
0x84: {  	_ =	shalt  }
0x85: {  	_ =	shalt  }
0x86: {  	_ =	shalt  }
0x87: {  	_ =	shalt  }
.Lfunc_end0:
.L_simem_size_0:
called_computation_lowered:
.L_overlay_start_0:
0x88: {  	s2 =	sld [smem:$0x3FD9]  }
0x89: {  	s3 =	sld [smem:$0x3FFE];
	_ =	sdelay $0x1  }
0x8a: {  	s1 =	srdreg.scid  }
0x8b: {  	s0 =	sand.u32 $0x1, s1  }
0x8c: {  	s17 =	sshll.u32 s0, $0xA;
	s2 =	sadd.s32 s3, s2  }
0x8d: {  	s2 =	sadd.s32 s2, s17  }
0x8e: {  	[smem:$0x3FC6] =	sst s2  }
0x8f: {  	_ = 	snop  }
0x90: {  	s2 =	sld [smem:$0x3FC8]  }
0x91: {  	s18 =	sld [smem:$0x3FD0];
	(tm) =	ssettm $0x1  }
0x92: {  	s4 =	sld [smem:$0x3FFB];
	_ =	sdelay $0x3  }
0x93: {  	_ =	strace s4  }
0x94: {  	s4 =	sld [smem:$0x3FFC];
	_ =	sdelay $0x3  }
0x95: {  	_ =	strace s4  }
0x96: {  	s4 =	sld [smem:$0x3FFD];
	_ =	sdelay $0x3  }
0x97: {  	_ =	strace s4  }
0x98: {  	_ =	strace $0x8FFFFFFF  }
0x99: {  	s19 =	sld [smem:$0x3FDB];
	_ =	sdelay $0x1  }
0x9a: {  	s5 =	simm.s32 $_scs_section_size  }
0x9b: {  	s6 =	simm.s32 $_size__tile_overlayer_lowered;
	s7 =	simm.s32 $_tile_overlayer_lowered  }
0x9c: {  	s22 =	simm.s32 $0x1BFF;
	s21 =	sshll.u32 s7, $0x1;
	s4 =	sadd.s32 s5, s19  }
0x9d: {  	s8 =	simm.s32 $0x0;
	s20 =	sshll.u32 s6, $0x1;
	s6 =	sadd.s32 s21, s4  }
0x9e: {  	[timem:s8], [sflag:s22] =	dma.local [hbm:s6], s20  }
0x9f: {  	_ =	swait.ge [sflag:s22], s20  }
0xa0: {  	s5 =	ssub.s32 $0x0, s20;
	[sflag:s22] =	ssyncset.done $0x0  }
0xa1: {  	[sflag:s22] =	ssyncadd.s32 s5;
	_ =	sdelay $0x1  }
0xa2: {  	s23 =	simm.s32 $0x1B8B  }
0xa3: {  	_ =	swait.ge [sflag:s23], $0x1  }
0xa4: {  	[sflag:s23] =	ssyncset.done $0x0  }
0xa5: {  	s25 =	simm.s32 $0x1B8E;
	s24 =	sld [smem:$0x3FFE];
	[sflag:s23] =	ssyncadd.s32 $0xFFFFFFFF  }
0xa6: {  	s26 =	simm.s32 $execute0_lowered;
	[smem:$0x3FD2] =	sst s25  }
0xa7: {  	s6 =	sshll.u32 s26, $0x1;
	_ =	strace $0x80000046;
	[dreg:$0x1] =	wrdreg $0xFFFFFFFF  }
0xa8: {  	s28 =	simm.s32 $_size_execute0_lowered;
	s4 =	sadd.s32 s4, s6;
	[dreg:$0x0] =	wrdreg $0x0  }
0xa9: {  	s6 =	sshll.u32 s28, $0x1;
	[dreg:$0x2] =	wrdreg s4  }
0xaa: {  	[dreg:$0x3] =	wrdreg s6  }
0xab: {  	[dreg:$0x4] =	wrdreg $0xC0  }
0xac: {  	_ =	task [dreg:s8], $0x5FFFF  }
0xad: {  	[dreg:$0x1] =	wrdreg $0xFFFFFFFF  }
0xae: {  	[dreg:$0x0] =	wrdreg $0x60  }
0xaf: {  	[dreg:$0x2] =	wrdreg s24  }
0xb0: {  	[dreg:$0x3] =	wrdreg s2  }
0xb1: {  	[dreg:$0x4] =	wrdreg s18  }
0xb2: {  	[dreg:$0x5] =	wrdreg $0x9  }
0xb3: {  	_ =	task.clear_ibuf [dreg:s8], $0x6FFFF;
	_ =	strace $0x90000046  }
0xb4: {  	s29 =	simm.s32 $0x9;
	_ =	strace $0x80000048  }
0xb5: {  	_ =	swait.ge [sflag:s29], $0x1  }
0xb6: {  	[sflag:s29] =	ssyncadd.s32 $0xFFFFFFFF  }
0xb7: {  	_ =	strace $0x90000048  }
0xb8: {  	_ =	sfence  }
0xb9: {  	s30 =	sld [smem:$0x0];
	_ =	sdelay $0x2  }
0xba: {  	s31 =	sshll.u32 s1, $0xD;
	s1 =	sshrl.u32 s1, $0x2  }
0xbb: {  	s3 =	sand.u32 $0x4000, s31;
	s1 =	sadd.s32 s1, s30  }
0xbc: {  	s0 =	sor.u32 s3, s0;
	s1 =	sshll.u32 s1, $0x11  }
0xbd: {  	s0 =	sor.u32 s1, s0  }
0xbe: {  	s0 =	sadd.s32 $0x8F2B, s0  }
0xbf: {  	[sflag:s0] =	ssyncadd.remote.s32 $0x1  }
0xc0: {  	_ =	sfence.sel $0xFFFF  }
0xc1: {  	[dreg:$0x0] =	wrdreg $0xFFFFFFFF;
	(pc) =	sbr.abs _section_cstart, $3  }
0xc2: {  	[dreg:$0x1] =	wrdreg $0xFFFFFFFF  }
0xc3: {  	_ =	task.clear_ibuf [dreg:s8], $0x2FFFF;
	_ =	strace $0x9FFFFFFF  }
0xc4: {  	(tm) =	ssettm $0x7FFFFFFF  }
0xc5: {  	_ =	shalt  }
tec
execute0_lowered:
.L_overlay_start_1:
0x0: {  	(tag) =	ssettag $0x1  }
0x1: {  	s5 =	rddreg [dreg:$0x0]  }
0x2: {  	s3 =	rddreg [dreg:$0x1]  }
0x3: {  	s1 =	srdreg.scid;
	s0 =	stileid.u32  }
0x4: {  	s9 =	rddreg [dreg:$0x2];
	s28 =	sand.u32 $0x1, s1;
	s4 =	sshll.u32 s0, $0x1  }
0x5: {  	s2 =	simm.s32 $0x0;
	s1 =	rddreg [dreg:$0x3];
	s10 =	sor.u32 s28, s4  }
0x6: {  	[smem:$0x7FF] =	sst s2;
	s4 =	sshll.u32 s10, $0x7  }
0x7: {  	_ =	strace $0x80000047;
	s4 =	sadd.s32 s3, s4;
	s3 =	simm.s32 $0x2  }
0x8: {  	[tilespmem:s2], [sflag:$0x2] =	stream.linear.gather [hbm4b:s4+s2], $0x400, $0x38;
	[tilespmem:$0x8400] =	vst v63  }
0x9: {  	_ =	swait.ge [sflag:s3], $0x400  }
0xa: {  	s6 =	simm.s32 $0x80;
	s7 =	simm.s32 $0x400;
	[sflag:s3] =	ssyncset.done $0x0  }
0xb: {  	s8 =	simm.s32 $0x1;
	s5 =	sadd.s32 $0x400, s5;
	[sflag:s3] =	ssyncadd.s32 $0xFFFFFC00  }
0xc: {  	[tilespmem:s7], [sflag:$0x1] =	stream.indirect.gather [hbm4b:s5+s6], $0x20, s2, s6, $0xb8;
	[tilespmem:$0x8400] =	vst v63  }
0xd: {  	_ =	swait.ge [sflag:s8], $0x1000  }
0xe: {  	s10 =	sshll.u32 s10, $0xC;
	[sflag:s8] =	ssyncset.done $0x0  }
0xf: {  	s9 =	sadd.s32 s9, s10;
	[sflag:s8] =	ssyncadd.s32 $0xFFFFF000  }
0x10: {  	[hbm4b:s9+s2] =	stream.linear.scatter [tilespmem:s7], [sflag:$0x2], $0x1000, $0x38;
	[tilespmem:$0x8400] =	vst v63  }
0x11: {  	_ =	swait.ge [sflag:s3], $0x1000  }
0x12: {  	[sflag:s3] =	ssyncset.done $0x0  }
0x13: {  	s10 =	simm.s32 $0x1400;
	[sflag:s3] =	ssyncadd.s32 $0xFFFFF000  }
0x14: {  	[tilespmem:s10], [sflag:$0x1] =	stream.indirect.gather [hbm4b:s5+s6], $0x20, s6, s6, $0xb8;
	[tilespmem:$0x8400] =	vst v63  }
0x15: {  	_ =	swait.ge [sflag:s8], $0x1000  }
0x16: {  	[sflag:s8] =	ssyncset.done $0x0  }
0x17: {  	s11 =	sadd.s32 $0x200, s9;
	[sflag:s8] =	ssyncadd.s32 $0xFFFFF000  }
0x18: {  	[hbm4b:s11+s2] =	stream.linear.scatter [tilespmem:s10], [sflag:$0x2], $0x1000, $0x38;
	[tilespmem:$0x8400] =	vst v63  }
0x19: {  	_ =	swait.ge [sflag:s3], $0x1000  }
0x1a: {  	[sflag:s3] =	ssyncset.done $0x0  }
0x1b: {  	s12 =	simm.s32 $0x100;
	s13 =	simm.s32 $0x2400;
	[sflag:s3] =	ssyncadd.s32 $0xFFFFF000  }
0x1c: {  	[tilespmem:s13], [sflag:$0x1] =	stream.indirect.gather [hbm4b:s5+s6], $0x20, s12, s6, $0xb8;
	[tilespmem:$0x8400] =	vst v63  }
0x1d: {  	_ =	swait.ge [sflag:s8], $0x1000  }
0x1e: {  	[sflag:s8] =	ssyncset.done $0x0  }
0x1f: {  	s14 =	sadd.s32 $0x400, s9;
	[sflag:s8] =	ssyncadd.s32 $0xFFFFF000  }
0x20: {  	[hbm4b:s14+s2] =	stream.linear.scatter [tilespmem:s13], [sflag:$0x2], $0x1000, $0x38;
	[tilespmem:$0x8400] =	vst v63  }
0x21: {  	_ =	swait.ge [sflag:s3], $0x1000  }
0x22: {  	[sflag:s3] =	ssyncset.done $0x0  }
0x23: {  	s15 =	simm.s32 $0x180;
	s16 =	simm.s32 $0x3400;
	[sflag:s3] =	ssyncadd.s32 $0xFFFFF000  }
0x24: {  	[tilespmem:s16], [sflag:$0x1] =	stream.indirect.gather [hbm4b:s5+s6], $0x20, s15, s6, $0xb8;
	[tilespmem:$0x8400] =	vst v63  }
0x25: {  	_ =	swait.ge [sflag:s8], $0x1000  }
0x26: {  	[sflag:s8] =	ssyncset.done $0x0  }
0x27: {  	s17 =	sadd.s32 $0x600, s9;
	[sflag:s8] =	ssyncadd.s32 $0xFFFFF000  }
0x28: {  	[hbm4b:s17+s2] =	stream.linear.scatter [tilespmem:s16], [sflag:$0x2], $0x1000, $0x38;
	[tilespmem:$0x8400] =	vst v63  }
0x29: {  	_ =	swait.ge [sflag:s3], $0x1000  }
0x2a: {  	[sflag:s3] =	ssyncset.done $0x0  }
0x2b: {  	s18 =	simm.s32 $0x200;
	s19 =	simm.s32 $0x4400;
	[sflag:s3] =	ssyncadd.s32 $0xFFFFF000  }
0x2c: {  	[tilespmem:s19], [sflag:$0x1] =	stream.indirect.gather [hbm4b:s5+s6], $0x20, s18, s6, $0xb8;
	[tilespmem:$0x8400] =	vst v63  }
0x2d: {  	_ =	swait.ge [sflag:s8], $0x1000  }
0x2e: {  	[sflag:s8] =	ssyncset.done $0x0  }
0x2f: {  	s20 =	sadd.s32 $0x800, s9;
	[sflag:s8] =	ssyncadd.s32 $0xFFFFF000  }
0x30: {  	[hbm4b:s20+s2] =	stream.linear.scatter [tilespmem:s19], [sflag:$0x2], $0x1000, $0x38;
	[tilespmem:$0x8400] =	vst v63  }
0x31: {  	_ =	swait.ge [sflag:s3], $0x1000  }
0x32: {  	[sflag:s3] =	ssyncset.done $0x0  }
0x33: {  	s21 =	simm.s32 $0x280;
	s22 =	simm.s32 $0x5400;
	[sflag:s3] =	ssyncadd.s32 $0xFFFFF000  }
0x34: {  	[tilespmem:s22], [sflag:$0x1] =	stream.indirect.gather [hbm4b:s5+s6], $0x20, s21, s6, $0xb8;
	[tilespmem:$0x8400] =	vst v63  }
0x35: {  	_ =	swait.ge [sflag:s8], $0x1000  }
0x36: {  	[sflag:s8] =	ssyncset.done $0x0  }
0x37: {  	s23 =	sadd.s32 $0xA00, s9;
	[sflag:s8] =	ssyncadd.s32 $0xFFFFF000  }
0x38: {  	[hbm4b:s23+s2] =	stream.linear.scatter [tilespmem:s22], [sflag:$0x2], $0x1000, $0x38;
	[tilespmem:$0x8400] =	vst v63  }
0x39: {  	_ =	swait.ge [sflag:s3], $0x1000  }
0x3a: {  	[sflag:s3] =	ssyncset.done $0x0  }
0x3b: {  	s24 =	simm.s32 $0x300;
	s25 =	simm.s32 $0x6400;
	[sflag:s3] =	ssyncadd.s32 $0xFFFFF000  }
0x3c: {  	[tilespmem:s25], [sflag:$0x1] =	stream.indirect.gather [hbm4b:s5+s6], $0x20, s24, s6, $0xb8;
	[tilespmem:$0x8400] =	vst v63  }
0x3d: {  	_ =	swait.ge [sflag:s8], $0x1000  }
0x3e: {  	[sflag:s8] =	ssyncset.done $0x0  }
0x3f: {  	s30 =	ssub.s32 $0x2, s28;
	s26 =	sadd.s32 $0xC00, s9;
	[sflag:s8] =	ssyncadd.s32 $0xFFFFF000  }
0x40: {  	[hbm4b:s26+s2] =	stream.linear.scatter [tilespmem:s25], [sflag:$0x2], $0x1000, $0x38;
	[tilespmem:$0x8400] =	vst v63  }
0x41: {  	s31 =	sshrl.u32 s30, $0x1;
	_ =	swait.ge [sflag:s3], $0x1000  }
0x42: {  	s29 =	simm.s32 $0x7400;
	s30 =	ssub.s32 s30, s31;
	[sflag:s3] =	ssyncset.done $0x0  }
0x43: {  	s28 =	simm.s32 $0x380;
	s31 =	smax.u32 s30, $0x1;
	[sflag:s3] =	ssyncadd.s32 $0xFFFFF000  }
0x44: {  	[tilespmem:s29], [sflag:$0x1] =	stream.indirect.gather [hbm4b:s5+s6], $0x20, s28, s6, $0xb8;
	[tilespmem:$0x8400] =	vst v63  }
0x45: {  	p0 =	sne.s32 s31, $0x1;
	_ =	swait.ge [sflag:s8], $0x1000  }
.Ltmp0:
0x46: {  	[sflag:s8] =	ssyncset.done $0x0;
	(pc) =	sbr.rel @!p0 .LBB2_2-.Ltmp0, $4  }
0x47: {  	s30 =	sadd.s32 $0xE00, s9;
	[sflag:s8] =	ssyncadd.s32 $0xFFFFF000  }
0x48: {  	[hbm4b:s30+s2] =	stream.linear.scatter [tilespmem:s29], [sflag:$0x2], $0x1000, $0x38;
	[tilespmem:$0x8400] =	vst v63  }
0x49: {  	_ =	swait.ge [sflag:s3], $0x1000  }
0x4a: {  	s31 =	sadd.s32 $0xFFFFFFFF, s31;
	[sflag:s3] =	ssyncset.done $0x0  }
.LBB2_1:
0x4b: {  	p0 =	sne.s32 s31, $0x1;
	s31 =	sadd.s32 $0xFFFFFFFF, s31;
	[sflag:s3] =	ssyncadd.s32 $0xFFFFF000  }
0x4c: {  	[tilespmem:s2], [sflag:$0x2] =	stream.linear.gather [hbm4b:s4+s2], $0x400, $0x38;
	[tilespmem:$0x8400] =	vst v63  }
0x4d: {  	_ =	swait.ge [sflag:s3], $0x400  }
0x4e: {  	[sflag:s3] =	ssyncset.done $0x0  }
0x4f: {  	[sflag:s3] =	ssyncadd.s32 $0xFFFFFC00  }
0x50: {  	[tilespmem:s7], [sflag:$0x1] =	stream.indirect.gather [hbm4b:s5+s6], $0x20, s2, s6, $0xb8;
	[tilespmem:$0x8400] =	vst v63  }
0x51: {  	_ =	swait.ge [sflag:s8], $0x1000  }
0x52: {  	[sflag:s8] =	ssyncset.done $0x0  }
0x53: {  	[sflag:s8] =	ssyncadd.s32 $0xFFFFF000  }
0x54: {  	[hbm4b:s9+s2] =	stream.linear.scatter [tilespmem:s7], [sflag:$0x2], $0x1000, $0x38;
	[tilespmem:$0x8400] =	vst v63  }
0x55: {  	_ =	swait.ge [sflag:s3], $0x1000  }
0x56: {  	[sflag:s3] =	ssyncset.done $0x0  }
0x57: {  	[sflag:s3] =	ssyncadd.s32 $0xFFFFF000  }
0x58: {  	[tilespmem:s10], [sflag:$0x1] =	stream.indirect.gather [hbm4b:s5+s6], $0x20, s6, s6, $0xb8;
	[tilespmem:$0x8400] =	vst v63  }
0x59: {  	_ =	swait.ge [sflag:s8], $0x1000  }
0x5a: {  	[sflag:s8] =	ssyncset.done $0x0  }
0x5b: {  	[sflag:s8] =	ssyncadd.s32 $0xFFFFF000  }
0x5c: {  	[hbm4b:s11+s2] =	stream.linear.scatter [tilespmem:s10], [sflag:$0x2], $0x1000, $0x38;
	[tilespmem:$0x8400] =	vst v63  }
0x5d: {  	_ =	swait.ge [sflag:s3], $0x1000  }
0x5e: {  	[sflag:s3] =	ssyncset.done $0x0  }
0x5f: {  	[sflag:s3] =	ssyncadd.s32 $0xFFFFF000  }
0x60: {  	[tilespmem:s13], [sflag:$0x1] =	stream.indirect.gather [hbm4b:s5+s6], $0x20, s12, s6, $0xb8;
	[tilespmem:$0x8400] =	vst v63  }
0x61: {  	_ =	swait.ge [sflag:s8], $0x1000  }
0x62: {  	[sflag:s8] =	ssyncset.done $0x0  }
0x63: {  	[sflag:s8] =	ssyncadd.s32 $0xFFFFF000  }
0x64: {  	[hbm4b:s14+s2] =	stream.linear.scatter [tilespmem:s13], [sflag:$0x2], $0x1000, $0x38;
	[tilespmem:$0x8400] =	vst v63  }
0x65: {  	_ =	swait.ge [sflag:s3], $0x1000  }
0x66: {  	[sflag:s3] =	ssyncset.done $0x0  }
0x67: {  	[sflag:s3] =	ssyncadd.s32 $0xFFFFF000  }
0x68: {  	[tilespmem:s16], [sflag:$0x1] =	stream.indirect.gather [hbm4b:s5+s6], $0x20, s15, s6, $0xb8;
	[tilespmem:$0x8400] =	vst v63  }
0x69: {  	_ =	swait.ge [sflag:s8], $0x1000  }
0x6a: {  	[sflag:s8] =	ssyncset.done $0x0  }
0x6b: {  	[sflag:s8] =	ssyncadd.s32 $0xFFFFF000  }
0x6c: {  	[hbm4b:s17+s2] =	stream.linear.scatter [tilespmem:s16], [sflag:$0x2], $0x1000, $0x38;
	[tilespmem:$0x8400] =	vst v63  }
0x6d: {  	_ =	swait.ge [sflag:s3], $0x1000  }
0x6e: {  	[sflag:s3] =	ssyncset.done $0x0  }
0x6f: {  	[sflag:s3] =	ssyncadd.s32 $0xFFFFF000  }
0x70: {  	[tilespmem:s19], [sflag:$0x1] =	stream.indirect.gather [hbm4b:s5+s6], $0x20, s18, s6, $0xb8;
	[tilespmem:$0x8400] =	vst v63  }
0x71: {  	_ =	swait.ge [sflag:s8], $0x1000  }
0x72: {  	[sflag:s8] =	ssyncset.done $0x0  }
0x73: {  	[sflag:s8] =	ssyncadd.s32 $0xFFFFF000  }
0x74: {  	[hbm4b:s20+s2] =	stream.linear.scatter [tilespmem:s19], [sflag:$0x2], $0x1000, $0x38;
	[tilespmem:$0x8400] =	vst v63  }
0x75: {  	_ =	swait.ge [sflag:s3], $0x1000  }
0x76: {  	[sflag:s3] =	ssyncset.done $0x0  }
0x77: {  	[sflag:s3] =	ssyncadd.s32 $0xFFFFF000  }
0x78: {  	[tilespmem:s22], [sflag:$0x1] =	stream.indirect.gather [hbm4b:s5+s6], $0x20, s21, s6, $0xb8;
	[tilespmem:$0x8400] =	vst v63  }
0x79: {  	_ =	swait.ge [sflag:s8], $0x1000  }
0x7a: {  	[sflag:s8] =	ssyncset.done $0x0  }
0x7b: {  	[sflag:s8] =	ssyncadd.s32 $0xFFFFF000  }
0x7c: {  	[hbm4b:s23+s2] =	stream.linear.scatter [tilespmem:s22], [sflag:$0x2], $0x1000, $0x38;
	[tilespmem:$0x8400] =	vst v63  }
0x7d: {  	_ =	swait.ge [sflag:s3], $0x1000  }
0x7e: {  	[sflag:s3] =	ssyncset.done $0x0  }
0x7f: {  	[sflag:s3] =	ssyncadd.s32 $0xFFFFF000  }
0x80: {  	[tilespmem:s25], [sflag:$0x1] =	stream.indirect.gather [hbm4b:s5+s6], $0x20, s24, s6, $0xb8;
	[tilespmem:$0x8400] =	vst v63  }
0x81: {  	_ =	swait.ge [sflag:s8], $0x1000  }
0x82: {  	[sflag:s8] =	ssyncset.done $0x0  }
0x83: {  	[sflag:s8] =	ssyncadd.s32 $0xFFFFF000  }
0x84: {  	[hbm4b:s26+s2] =	stream.linear.scatter [tilespmem:s25], [sflag:$0x2], $0x1000, $0x38;
	[tilespmem:$0x8400] =	vst v63  }
0x85: {  	_ =	swait.ge [sflag:s3], $0x1000  }
0x86: {  	[sflag:s3] =	ssyncset.done $0x0  }
0x87: {  	[sflag:s3] =	ssyncadd.s32 $0xFFFFF000  }
0x88: {  	[tilespmem:s29], [sflag:$0x1] =	stream.indirect.gather [hbm4b:s5+s6], $0x20, s28, s6, $0xb8;
	[tilespmem:$0x8400] =	vst v63  }
0x89: {  	_ =	swait.ge [sflag:s8], $0x1000  }
.Ltmp1:
0x8a: {  	[sflag:s8] =	ssyncset.done $0x0;
	(pc) =	sbr.rel @p0 .LBB2_1-.Ltmp1, $4  }
0x8b: {  	[sflag:s8] =	ssyncadd.s32 $0xFFFFF000  }
0x8c: {  	[hbm4b:s30+s2] =	stream.linear.scatter [tilespmem:s29], [sflag:$0x2], $0x1000, $0x38;
	[tilespmem:$0x8400] =	vst v63  }
0x8d: {  	_ =	swait.ge [sflag:s3], $0x1000  }
0x8e: {  	[sflag:s3] =	ssyncset.done $0x0  }
.LBB2_2:
0x8f: {  	[sflag:s3] =	ssyncadd.s32 $0xFFFFF000  }
0x90: {  	_ =	sfence.sel $0x180000  }
0x91: {  	[bflag:$0x0] =	sbarrier.arrive $0xFFFF  }
0x92: {  	p0 =	sne.s32 s0, $0x0;
	_ =	strace $0x90000047  }
0x93: {  	s0 =	sadd.s32 @!p0 $0x100000, s1;
	[bflag:$0x2] =	sbarrier.arrive $0xFFFF  }
0x94: {  	[sflag:s0] =	ssyncadd.tile.s32 @!p0 $0x1;
	_ =	shalt  }
.Lfunc_end2:
_tile_overlayer_lowered:
.L_overlay_start_2:
0x95: {  	(tag) =	ssettag $0x2  }
0x96: {  	s0 =	rddreg [dreg:$0x0];
	s2 =	stileid.u32  }
0x97: {  	s1 =	rddreg [dreg:$0x1];
	p0 =	sne.s32 s2, $0x0  }
0x98: {  	s3 =	rddreg [dreg:$0x2];
	[bflag:$0x3] =	sbarrier.arrive $0xFFFF;
	s2 =	simm.s32 @!p0 $0x1C02  }
0x99: {  	[timem:s3], [sflag:s2] =	dma.local @!p0 [hbm:s0], s1  }
0x9a: {  	s0 =	simm.s32 @!p0 $0x2  }
0x9b: {  	_ =	swait.ge @!p0 [sflag:s0], s1  }
0x9c: {  	s1 =	ssub.s32 @!p0 $0x0, s1;
	[sflag:s0] =	ssyncset.done @!p0 $0x0  }
0x9d: {  	[sflag:s0] =	ssyncadd.s32 @!p0 s1  }
0x9e: {  	[bflag:$0x3] =	sbarrier.arrive $0xFFFF  }
0x9f: {  	_ =	shalt  }

</sc_bundles>
